<compile_context>
chip_gen: v7x
topology: tpu7x:2x2x1
jax: 0.10.2.dev20260603
libtpu: 0.0.44.dev20260713+nightly
codegen_flags: <defaults>
</compile_context>

<pallas_src>
import functools

import jax
import jax.numpy as jnp
from jax import lax
from jax.experimental import pallas as pl
from jax.experimental.pallas import tpu as pltpu
from jax.experimental.pallas import tpu_sc as plsc

N_NODES = 10000
D_FEAT = 128
N_EDGES = 320000
HALF = 64
CW = 80
NC = 2
NS = 16
EDGES_PER_TILE = N_EDGES // NS
K = 80
NCHUNK = EDGES_PER_TILE // K
ROWS_PER_TILE = N_NODES // NS


def _pre_body(x_ref, w_ref, asrc_ref, adst_ref, hext_ref, as_ref, ad_ref):
    h = jnp.dot(x_ref[...], w_ref[...], preferred_element_type=jnp.float32)
    ones = jnp.ones((N_NODES, 1), jnp.float32)
    zeros = jnp.zeros((N_NODES, CW - HALF - 1), jnp.float32)
    lo = jnp.concatenate([h[:, :HALF], ones, zeros], axis=1)
    hi = jnp.concatenate([h[:, HALF:], ones, zeros], axis=1)
    hext_ref[...] = jnp.concatenate([lo, hi], axis=0)
    as_ref[...] = jnp.sum(h * asrc_ref[...][None, :], axis=1, keepdims=True)
    ad_ref[...] = jnp.sum(h * adst_ref[...][None, :], axis=1, keepdims=True)


_pre = pl.pallas_call(
    _pre_body,
    out_shape=(
        jax.ShapeDtypeStruct((NC * N_NODES, CW), jnp.float32),
        jax.ShapeDtypeStruct((N_NODES, 1), jnp.float32),
        jax.ShapeDtypeStruct((N_NODES, 1), jnp.float32),
    ),
)


def _sc_body(hext, a_s_h, a_d_h, src_h, dst_h, out_h,
             a_s_v, a_d_v, src_v, dst_v, rows_v, w_v, acc, sem):
    cid = lax.axis_index("c")
    sid = lax.axis_index("s")

    def zrow(i, _):
        for g in range(CW // 16):
            rows_v[i, pl.ds(g * 16, 16)] = jnp.zeros((16,), jnp.float32)
        return 0
    lax.fori_loop(0, K, zrow, 0)
    base = sid * ROWS_PER_TILE
    for q in range(7):
        pltpu.sync_copy(rows_v, acc.at[pl.ds(base + q * K, K)])
    pltpu.sync_copy(rows_v.at[pl.ds(0, ROWS_PER_TILE - 7 * K)],
                    acc.at[pl.ds(base + 7 * K, ROWS_PER_TILE - 7 * K)])

    pltpu.sync_copy(a_s_h, a_s_v)
    pltpu.sync_copy(a_d_h, a_d_v)
    pltpu.sync_copy(src_h.at[cid, sid], src_v)
    pltpu.sync_copy(dst_h.at[sid], dst_v)

    def vmax(ref):
        def body(i, m):
            return jnp.maximum(m, ref[pl.ds(i * 16, 16)])
        m = lax.fori_loop(0, N_NODES // 16, body,
                          jnp.full((16,), -jnp.inf, jnp.float32))
        return jnp.max(m)
    mtot = vmax(a_s_v) + vmax(a_d_v)
    m_bound = jnp.where(mtot > 0, mtot, mtot * 0.2)
    src_off = cid * N_NODES

    plsc.subcore_barrier()

    def chunk(j, _):
        cp = pltpu.async_copy(hext.at[src_v.at[j]], rows_v, sem)
        for g in range(K // 16):
            si = src_v[j, pl.ds(g * 16, 16)] - src_off
            di = dst_v[j, pl.ds(g * 16, 16)]
            e = plsc.load_gather(a_s_v, [si]) + plsc.load_gather(a_d_v, [di])
            e = jnp.where(e >= 0, e, e * 0.2)
            w_v[pl.ds(g * 16, 16)] = jnp.exp(e - m_bound)
        cp.wait()

        def srow(i, _):
            wi = w_v[pl.ds(i, 16)][0]
            for g in range(CW // 16):
                rows_v[i, pl.ds(g * 16, 16)] = rows_v[i, pl.ds(g * 16, 16)] * wi
            return 0
        lax.fori_loop(0, K, srow, 0)
        pltpu.sync_copy(rows_v, acc.at[dst_v.at[j]], add=True)
        return 0
    lax.fori_loop(0, NCHUNK, chunk, 0)

    plsc.subcore_barrier()
    pltpu.sync_copy(acc.at[pl.ds(base, ROWS_PER_TILE)],
                    out_h.at[cid, pl.ds(base, ROWS_PER_TILE)])


_sc_main = functools.partial(
    pl.kernel,
    out_type=jax.ShapeDtypeStruct((NC, N_NODES, CW), jnp.float32),
    mesh=plsc.VectorSubcoreMesh(core_axis_name="c", subcore_axis_name="s"),
    compiler_params=pltpu.CompilerParams(use_tc_tiling_on_sc=False,
                                         needs_layout_passes=False),
    scratch_types=[
        pltpu.VMEM((N_NODES,), jnp.float32),
        pltpu.VMEM((N_NODES,), jnp.float32),
        pltpu.VMEM((NCHUNK, K), jnp.int32),
        pltpu.VMEM((NCHUNK, K), jnp.int32),
        pltpu.VMEM((K, CW), jnp.float32),
        pltpu.VMEM((K + 16,), jnp.float32),
        pltpu.VMEM_SHARED((N_NODES, CW), jnp.float32),
        pltpu.SemaphoreType.DMA,
    ],
)(_sc_body)


def _post_body(part_ref, bias_ref, out_ref):
    numer = jnp.concatenate(
        [part_ref[0, :, :HALF], part_ref[1, :, :HALF]], axis=1)
    denom = part_ref[0, :, HALF:HALF + 1]
    out = numer / (denom + 1e-16) + bias_ref[...][None, :]
    out_ref[...] = jnp.maximum(out, 0.0)


_post = pl.pallas_call(
    _post_body,
    out_shape=jax.ShapeDtypeStruct((N_NODES, D_FEAT), jnp.float32),
)


@jax.jit
def kernel(x, edge_index, W, att_src, att_dst, bias):
    src = edge_index[0].astype(jnp.int32).reshape(NS, NCHUNK, K)
    dst = edge_index[1].astype(jnp.int32).reshape(NS, NCHUNK, K)
    src2 = jnp.stack([src, src + N_NODES])
    hext, a_s, a_d = _pre(x, W, att_src, att_dst)
    partials = _sc_main(hext, a_s.reshape(N_NODES), a_d.reshape(N_NODES),
                        src2, dst)
    return _post(partials, bias)

# --- scband reference (transcript-rebuilt; emitter-appended) ---
"""Pipeline reference for scband-gatconv-19335942766938 (READ-ONLY COPY).

The authoritative reference and input builder live on the scoring server;
editing this copy changes nothing except your own understanding.
"""

import jax, jax.numpy as jnp
import numpy as np

N_NODES = 10000
D_FEAT = 128
N_EDGES = 320000
HEADS = 1
OUT_CH = 128


def setup_inputs(seed: int = 0) -> dict:
    key = jax.random.key(seed)
    k1, k2, k3, k4, k5, k6 = jax.random.split(key, 6)
    x = jax.random.normal(k1, (N_NODES, D_FEAT), dtype=jnp.float32)
    edge_index = jax.random.randint(k2, (2, N_EDGES), 0, N_NODES, dtype=jnp.int64)
    scale = 1.0 / np.sqrt(D_FEAT)
    W = jax.random.normal(k3, (D_FEAT, HEADS * OUT_CH), dtype=jnp.float32) * scale
    att_src = jax.random.normal(k4, (HEADS * OUT_CH,), dtype=jnp.float32) * scale
    att_dst = jax.random.normal(k5, (HEADS * OUT_CH,), dtype=jnp.float32) * scale
    bias = jnp.zeros((HEADS * OUT_CH,), dtype=jnp.float32)
    return {"x": x, "edge_index": edge_index, "W": W, "att_src": att_src, "att_dst": att_dst, "bias": bias}


def reference(x, edge_index, W, att_src, att_dst, bias):
    # PyG GATConv (heads=1, concat=True, negative_slope=0.2, dropout=0.0)
    N = x.shape[0]
    h = x @ W  # [N, H*C]
    alpha_src = (h * att_src).sum(axis=-1)  # [N]
    alpha_dst = (h * att_dst).sum(axis=-1)  # [N]
    src = edge_index[0]
    dst = edge_index[1]
    e = alpha_src[src] + alpha_dst[dst]  # [E]
    e = jax.nn.leaky_relu(e, negative_slope=0.2)
    # softmax over incoming edges per destination node
    e_max = jax.ops.segment_max(e, dst, num_segments=N)
    e_exp = jnp.exp(e - e_max[dst])
    denom = jax.ops.segment_sum(e_exp, dst, num_segments=N)
    alpha = e_exp / (denom[dst] + 1e-16)
    # aggregate messages
    msg = h[src] * alpha[:, None]  # [E, C]
    out = jax.ops.segment_sum(msg, dst, num_segments=N)
    out = out + bias
    # wrapper: layer_dropout (p=0.0, no-op) then activation
    return jax.nn.relu(out)

if __name__ == "__main__":
    import jax
    _d = setup_inputs()
    print(jax.jit(kernel)(*tuple(_d.values())))

</pallas_src>

<mosaic_0001>
#map = affine_map<(d0, d1) -> (0, 0)>
#map1 = affine_map<(d0, d1) -> (0)>
#map2 = affine_map<(d0, d1) -> (0, 0, 0, 0)>
#map3 = affine_map<(d0, d1) -> (0, 0, 0)>
module attributes {stable_mosaic.version = 14 : i64} {
  func.func @_sc_body(%arg0: i32, %arg1: i32, %arg2: memref<20000x80xf32, #tpu.memory_space<hbm>>, %arg3: memref<10000xf32, #tpu.memory_space<hbm>>, %arg4: memref<10000xf32, #tpu.memory_space<hbm>>, %arg5: memref<2x16x250x80xi32, #tpu.memory_space<hbm>>, %arg6: memref<16x250x80xi32, #tpu.memory_space<hbm>>, %arg7: memref<2x10000x80xf32, #tpu.memory_space<hbm>>, %arg8: memref<10000xf32, #tpu.memory_space<vmem>>, %arg9: memref<10000xf32, #tpu.memory_space<vmem>>, %arg10: memref<250x80xi32, #tpu.memory_space<vmem>>, %arg11: memref<250x80xi32, #tpu.memory_space<vmem>>, %arg12: memref<80x80xf32, #tpu.memory_space<vmem>>, %arg13: memref<96xf32, #tpu.memory_space<vmem>>, %arg14: memref<10000x80xf32, #tpu.memory_space<vmem_shared>>, %arg15: memref<!tpu.dma_semaphore, #tpu.memory_space<semaphore_mem>>) attributes {dimension_semantics = [#tpu.dimension_semantics<core_parallel>, #tpu.dimension_semantics<subcore_parallel>], iteration_bounds = array<i64: 2, 16>, scalar_prefetch = 0 : i64, scratch_operands = 8 : i64, tpu.core_type = #tpu.core_type<sc_vector_subcore>, window_params = [{transform_indices = #map}, {transform_indices = #map1}, {transform_indices = #map1}, {transform_indices = #map2}, {transform_indices = #map3}, {transform_indices = #map3}]} {
    %scan3A = arith.constant 0 : i32
    %scan3A_0 = arith.constant 0 : i32
    %scan3A_1 = arith.constant 80 : i32
    %scan3A_2 = arith.addi %scan3A_0, %scan3A_1 : i32
    %scan3A_3 = arith.constant 1 : i32
    %scan3A_4 = scf.for %scan3A_58 = %scan3A_0 to %scan3A_2 step %scan3A_3 iter_args(%scan3A_59 = %scan3A) -> (i32)  : i32 {
      %broadcast_in_dim3A_60 = arith.constant 0.000000e+00 : f32
      %broadcast_in_dim3A_61 = vector.broadcast %broadcast_in_dim3A_60 : f32 to vector<16xf32>
      %swap3A = arith.index_cast %scan3A_58 : i32 to index
      %swap3A_62 = arith.constant 0 : index
      %swap3A_63 = tpu.vector_load %arg12[%swap3A, %swap3A_62] {strides = array<i32>} : memref<80x80xf32, #tpu.memory_space<vmem>>, vector<16xf32>,
      tpu.vector_store %arg12[%swap3A, %swap3A_62], %broadcast_in_dim3A_61 {strides = array<i32>} : memref<80x80xf32, #tpu.memory_space<vmem>>, vector<16xf32>,
      %broadcast_in_dim3A_64 = arith.constant 0.000000e+00 : f32
      %broadcast_in_dim3A_65 = vector.broadcast %broadcast_in_dim3A_64 : f32 to vector<16xf32>
      %swap3A_66 = arith.index_cast %scan3A_58 : i32 to index
      %swap3A_67 = arith.constant 16 : index
      %swap3A_68 = tpu.vector_load %arg12[%swap3A_66, %swap3A_67] {strides = array<i32>} : memref<80x80xf32, #tpu.memory_space<vmem>>, vector<16xf32>,
      tpu.vector_store %arg12[%swap3A_66, %swap3A_67], %broadcast_in_dim3A_65 {strides = array<i32>} : memref<80x80xf32, #tpu.memory_space<vmem>>, vector<16xf32>,
      %broadcast_in_dim3A_69 = arith.constant 0.000000e+00 : f32
      %broadcast_in_dim3A_70 = vector.broadcast %broadcast_in_dim3A_69 : f32 to vector<16xf32>
      %swap3A_71 = arith.index_cast %scan3A_58 : i32 to index
      %swap3A_72 = arith.constant 32 : index
      %swap3A_73 = tpu.vector_load %arg12[%swap3A_71, %swap3A_72] {strides = array<i32>} : memref<80x80xf32, #tpu.memory_space<vmem>>, vector<16xf32>,
      tpu.vector_store %arg12[%swap3A_71, %swap3A_72], %broadcast_in_dim3A_70 {strides = array<i32>} : memref<80x80xf32, #tpu.memory_space<vmem>>, vector<16xf32>,
      %broadcast_in_dim3A_74 = arith.constant 0.000000e+00 : f32
      %broadcast_in_dim3A_75 = vector.broadcast %broadcast_in_dim3A_74 : f32 to vector<16xf32>
      %swap3A_76 = arith.index_cast %scan3A_58 : i32 to index
      %swap3A_77 = arith.constant 48 : index
      %swap3A_78 = tpu.vector_load %arg12[%swap3A_76, %swap3A_77] {strides = array<i32>} : memref<80x80xf32, #tpu.memory_space<vmem>>, vector<16xf32>,
      tpu.vector_store %arg12[%swap3A_76, %swap3A_77], %broadcast_in_dim3A_75 {strides = array<i32>} : memref<80x80xf32, #tpu.memory_space<vmem>>, vector<16xf32>,
      %broadcast_in_dim3A_79 = arith.constant 0.000000e+00 : f32
      %broadcast_in_dim3A_80 = vector.broadcast %broadcast_in_dim3A_79 : f32 to vector<16xf32>
      %swap3A_81 = arith.index_cast %scan3A_58 : i32 to index
      %swap3A_82 = arith.constant 64 : index
      %swap3A_83 = tpu.vector_load %arg12[%swap3A_81, %swap3A_82] {strides = array<i32>} : memref<80x80xf32, #tpu.memory_space<vmem>>, vector<16xf32>,
      tpu.vector_store %arg12[%swap3A_81, %swap3A_82], %broadcast_in_dim3A_80 {strides = array<i32>} : memref<80x80xf32, #tpu.memory_space<vmem>>, vector<16xf32>,
      %scan3A_84 = arith.constant 0 : i32
      scf.yield %scan3A_84 : i32
    }
    %scan3A_5 = arith.constant 80 : i32
    %mul3A = arith.constant 625 : i32
    %mul3A_6 = arith.muli %arg1, %mul3A : i32
    %add3A = arith.constant 0 : i32
    %add3A_7 = arith.addi %mul3A_6, %add3A : i32
    "tpu.region"() ({
      %run_scoped3A = tpu.sem_alloc : memref<!tpu.dma_semaphore, #tpu.memory_space<semaphore_mem>>
      %dma_start3A = arith.constant 0 : i32
      %dma_start3A_58 = tpu.memref_slice %arg14[%add3A_7, %dma_start3A] : memref<10000x80xf32, #tpu.memory_space<vmem_shared>> -> memref<80x80xf32, #tpu.memory_space<vmem_shared>>
      %dma_start3A_59 = arith.constant 0 : i32
      %dma_start3A_60 = tpu.memref_slice %arg14[%add3A_7, %dma_start3A_59] : memref<10000x80xf32, #tpu.memory_space<vmem_shared>> -> memref<80x80xf32, #tpu.memory_space<vmem_shared>>
      tpu.enqueue_dma source(%arg12 : memref<80x80xf32, #tpu.memory_space<vmem>>) target(%dma_start3A_60 : memref<80x80xf32, #tpu.memory_space<vmem_shared>>) target_semaphore(%run_scoped3A : memref<!tpu.dma_semaphore, #tpu.memory_space<semaphore_mem>>)
      %dma_wait3A = arith.constant 0 : i32
      %dma_wait3A_61 = tpu.memref_slice %arg14[%add3A_7, %dma_wait3A] : memref<10000x80xf32, #tpu.memory_space<vmem_shared>> -> memref<80x80xf32, #tpu.memory_space<vmem_shared>>
      %dma_wait3A_62 = arith.constant 0 : i32
      %dma_wait3A_63 = tpu.memref_slice %arg14[%add3A_7, %dma_wait3A_62] : memref<10000x80xf32, #tpu.memory_space<vmem_shared>> -> memref<80x80xf32, #tpu.memory_space<vmem_shared>>
      tpu.wait_dma2 semaphore(%run_scoped3A : memref<!tpu.dma_semaphore, #tpu.memory_space<semaphore_mem>>) src(%arg12 : memref<80x80xf32, #tpu.memory_space<vmem>>) dst(%dma_wait3A_63 : memref<80x80xf32, #tpu.memory_space<vmem_shared>>)
      tpu.yield
    }) : () -> ()
    %add3A_8 = arith.constant 80 : i32
    %add3A_9 = arith.addi %mul3A_6, %add3A_8 : i32
    "tpu.region"() ({
      %run_scoped3A = tpu.sem_alloc : memref<!tpu.dma_semaphore, #tpu.memory_space<semaphore_mem>>
      %dma_start3A = arith.constant 0 : i32
      %dma_start3A_58 = tpu.memref_slice %arg14[%add3A_9, %dma_start3A] : memref<10000x80xf32, #tpu.memory_space<vmem_shared>> -> memref<80x80xf32, #tpu.memory_space<vmem_shared>>
      %dma_start3A_59 = arith.constant 0 : i32
      %dma_start3A_60 = tpu.memref_slice %arg14[%add3A_9, %dma_start3A_59] : memref<10000x80xf32, #tpu.memory_space<vmem_shared>> -> memref<80x80xf32, #tpu.memory_space<vmem_shared>>
      tpu.enqueue_dma source(%arg12 : memref<80x80xf32, #tpu.memory_space<vmem>>) target(%dma_start3A_60 : memref<80x80xf32, #tpu.memory_space<vmem_shared>>) target_semaphore(%run_scoped3A : memref<!tpu.dma_semaphore, #tpu.memory_space<semaphore_mem>>)
      %dma_wait3A = arith.constant 0 : i32
      %dma_wait3A_61 = tpu.memref_slice %arg14[%add3A_9, %dma_wait3A] : memref<10000x80xf32, #tpu.memory_space<vmem_shared>> -> memref<80x80xf32, #tpu.memory_space<vmem_shared>>
      %dma_wait3A_62 = arith.constant 0 : i32
      %dma_wait3A_63 = tpu.memref_slice %arg14[%add3A_9, %dma_wait3A_62] : memref<10000x80xf32, #tpu.memory_space<vmem_shared>> -> memref<80x80xf32, #tpu.memory_space<vmem_shared>>
      tpu.wait_dma2 semaphore(%run_scoped3A : memref<!tpu.dma_semaphore, #tpu.memory_space<semaphore_mem>>) src(%arg12 : memref<80x80xf32, #tpu.memory_space<vmem>>) dst(%dma_wait3A_63 : memref<80x80xf32, #tpu.memory_space<vmem_shared>>)
      tpu.yield
    }) : () -> ()
    %add3A_10 = arith.constant 160 : i32
    %add3A_11 = arith.addi %mul3A_6, %add3A_10 : i32
    "tpu.region"() ({
      %run_scoped3A = tpu.sem_alloc : memref<!tpu.dma_semaphore, #tpu.memory_space<semaphore_mem>>
      %dma_start3A = arith.constant 0 : i32
      %dma_start3A_58 = tpu.memref_slice %arg14[%add3A_11, %dma_start3A] : memref<10000x80xf32, #tpu.memory_space<vmem_shared>> -> memref<80x80xf32, #tpu.memory_space<vmem_shared>>
      %dma_start3A_59 = arith.constant 0 : i32
      %dma_start3A_60 = tpu.memref_slice %arg14[%add3A_11, %dma_start3A_59] : memref<10000x80xf32, #tpu.memory_space<vmem_shared>> -> memref<80x80xf32, #tpu.memory_space<vmem_shared>>
      tpu.enqueue_dma source(%arg12 : memref<80x80xf32, #tpu.memory_space<vmem>>) target(%dma_start3A_60 : memref<80x80xf32, #tpu.memory_space<vmem_shared>>) target_semaphore(%run_scoped3A : memref<!tpu.dma_semaphore, #tpu.memory_space<semaphore_mem>>)
      %dma_wait3A = arith.constant 0 : i32
      %dma_wait3A_61 = tpu.memref_slice %arg14[%add3A_11, %dma_wait3A] : memref<10000x80xf32, #tpu.memory_space<vmem_shared>> -> memref<80x80xf32, #tpu.memory_space<vmem_shared>>
      %dma_wait3A_62 = arith.constant 0 : i32
      %dma_wait3A_63 = tpu.memref_slice %arg14[%add3A_11, %dma_wait3A_62] : memref<10000x80xf32, #tpu.memory_space<vmem_shared>> -> memref<80x80xf32, #tpu.memory_space<vmem_shared>>
      tpu.wait_dma2 semaphore(%run_scoped3A : memref<!tpu.dma_semaphore, #tpu.memory_space<semaphore_mem>>) src(%arg12 : memref<80x80xf32, #tpu.memory_space<vmem>>) dst(%dma_wait3A_63 : memref<80x80xf32, #tpu.memory_space<vmem_shared>>)
      tpu.yield
    }) : () -> ()
    %add3A_12 = arith.constant 240 : i32
    %add3A_13 = arith.addi %mul3A_6, %add3A_12 : i32
    "tpu.region"() ({
      %run_scoped3A = tpu.sem_alloc : memref<!tpu.dma_semaphore, #tpu.memory_space<semaphore_mem>>
      %dma_start3A = arith.constant 0 : i32
      %dma_start3A_58 = tpu.memref_slice %arg14[%add3A_13, %dma_start3A] : memref<10000x80xf32, #tpu.memory_space<vmem_shared>> -> memref<80x80xf32, #tpu.memory_space<vmem_shared>>
      %dma_start3A_59 = arith.constant 0 : i32
      %dma_start3A_60 = tpu.memref_slice %arg14[%add3A_13, %dma_start3A_59] : memref<10000x80xf32, #tpu.memory_space<vmem_shared>> -> memref<80x80xf32, #tpu.memory_space<vmem_shared>>
      tpu.enqueue_dma source(%arg12 : memref<80x80xf32, #tpu.memory_space<vmem>>) target(%dma_start3A_60 : memref<80x80xf32, #tpu.memory_space<vmem_shared>>) target_semaphore(%run_scoped3A : memref<!tpu.dma_semaphore, #tpu.memory_space<semaphore_mem>>)
      %dma_wait3A = arith.constant 0 : i32
      %dma_wait3A_61 = tpu.memref_slice %arg14[%add3A_13, %dma_wait3A] : memref<10000x80xf32, #tpu.memory_space<vmem_shared>> -> memref<80x80xf32, #tpu.memory_space<vmem_shared>>
      %dma_wait3A_62 = arith.constant 0 : i32
      %dma_wait3A_63 = tpu.memref_slice %arg14[%add3A_13, %dma_wait3A_62] : memref<10000x80xf32, #tpu.memory_space<vmem_shared>> -> memref<80x80xf32, #tpu.memory_space<vmem_shared>>
      tpu.wait_dma2 semaphore(%run_scoped3A : memref<!tpu.dma_semaphore, #tpu.memory_space<semaphore_mem>>) src(%arg12 : memref<80x80xf32, #tpu.memory_space<vmem>>) dst(%dma_wait3A_63 : memref<80x80xf32, #tpu.memory_space<vmem_shared>>)
      tpu.yield
    }) : () -> ()
    %add3A_14 = arith.constant 320 : i32
    %add3A_15 = arith.addi %mul3A_6, %add3A_14 : i32
    "tpu.region"() ({
      %run_scoped3A = tpu.sem_alloc : memref<!tpu.dma_semaphore, #tpu.memory_space<semaphore_mem>>
      %dma_start3A = arith.constant 0 : i32
      %dma_start3A_58 = tpu.memref_slice %arg14[%add3A_15, %dma_start3A] : memref<10000x80xf32, #tpu.memory_space<vmem_shared>> -> memref<80x80xf32, #tpu.memory_space<vmem_shared>>
      %dma_start3A_59 = arith.constant 0 : i32
      %dma_start3A_60 = tpu.memref_slice %arg14[%add3A_15, %dma_start3A_59] : memref<10000x80xf32, #tpu.memory_space<vmem_shared>> -> memref<80x80xf32, #tpu.memory_space<vmem_shared>>
      tpu.enqueue_dma source(%arg12 : memref<80x80xf32, #tpu.memory_space<vmem>>) target(%dma_start3A_60 : memref<80x80xf32, #tpu.memory_space<vmem_shared>>) target_semaphore(%run_scoped3A : memref<!tpu.dma_semaphore, #tpu.memory_space<semaphore_mem>>)
      %dma_wait3A = arith.constant 0 : i32
      %dma_wait3A_61 = tpu.memref_slice %arg14[%add3A_15, %dma_wait3A] : memref<10000x80xf32, #tpu.memory_space<vmem_shared>> -> memref<80x80xf32, #tpu.memory_space<vmem_shared>>
      %dma_wait3A_62 = arith.constant 0 : i32
      %dma_wait3A_63 = tpu.memref_slice %arg14[%add3A_15, %dma_wait3A_62] : memref<10000x80xf32, #tpu.memory_space<vmem_shared>> -> memref<80x80xf32, #tpu.memory_space<vmem_shared>>
      tpu.wait_dma2 semaphore(%run_scoped3A : memref<!tpu.dma_semaphore, #tpu.memory_space<semaphore_mem>>) src(%arg12 : memref<80x80xf32, #tpu.memory_space<vmem>>) dst(%dma_wait3A_63 : memref<80x80xf32, #tpu.memory_space<vmem_shared>>)
      tpu.yield
    }) : () -> ()
    %add3A_16 = arith.constant 400 : i32
    %add3A_17 = arith.addi %mul3A_6, %add3A_16 : i32
    "tpu.region"() ({
      %run_scoped3A = tpu.sem_alloc : memref<!tpu.dma_semaphore, #tpu.memory_space<semaphore_mem>>
      %dma_start3A = arith.constant 0 : i32
      %dma_start3A_58 = tpu.memref_slice %arg14[%add3A_17, %dma_start3A] : memref<10000x80xf32, #tpu.memory_space<vmem_shared>> -> memref<80x80xf32, #tpu.memory_space<vmem_shared>>
      %dma_start3A_59 = arith.constant 0 : i32
      %dma_start3A_60 = tpu.memref_slice %arg14[%add3A_17, %dma_start3A_59] : memref<10000x80xf32, #tpu.memory_space<vmem_shared>> -> memref<80x80xf32, #tpu.memory_space<vmem_shared>>
      tpu.enqueue_dma source(%arg12 : memref<80x80xf32, #tpu.memory_space<vmem>>) target(%dma_start3A_60 : memref<80x80xf32, #tpu.memory_space<vmem_shared>>) target_semaphore(%run_scoped3A : memref<!tpu.dma_semaphore, #tpu.memory_space<semaphore_mem>>)
      %dma_wait3A = arith.constant 0 : i32
      %dma_wait3A_61 = tpu.memref_slice %arg14[%add3A_17, %dma_wait3A] : memref<10000x80xf32, #tpu.memory_space<vmem_shared>> -> memref<80x80xf32, #tpu.memory_space<vmem_shared>>
      %dma_wait3A_62 = arith.constant 0 : i32
      %dma_wait3A_63 = tpu.memref_slice %arg14[%add3A_17, %dma_wait3A_62] : memref<10000x80xf32, #tpu.memory_space<vmem_shared>> -> memref<80x80xf32, #tpu.memory_space<vmem_shared>>
      tpu.wait_dma2 semaphore(%run_scoped3A : memref<!tpu.dma_semaphore, #tpu.memory_space<semaphore_mem>>) src(%arg12 : memref<80x80xf32, #tpu.memory_space<vmem>>) dst(%dma_wait3A_63 : memref<80x80xf32, #tpu.memory_space<vmem_shared>>)
      tpu.yield
    }) : () -> ()
    %add3A_18 = arith.constant 480 : i32
    %add3A_19 = arith.addi %mul3A_6, %add3A_18 : i32
    "tpu.region"() ({
      %run_scoped3A = tpu.sem_alloc : memref<!tpu.dma_semaphore, #tpu.memory_space<semaphore_mem>>
      %dma_start3A = arith.constant 0 : i32
      %dma_start3A_58 = tpu.memref_slice %arg14[%add3A_19, %dma_start3A] : memref<10000x80xf32, #tpu.memory_space<vmem_shared>> -> memref<80x80xf32, #tpu.memory_space<vmem_shared>>
      %dma_start3A_59 = arith.constant 0 : i32
      %dma_start3A_60 = tpu.memref_slice %arg14[%add3A_19, %dma_start3A_59] : memref<10000x80xf32, #tpu.memory_space<vmem_shared>> -> memref<80x80xf32, #tpu.memory_space<vmem_shared>>
      tpu.enqueue_dma source(%arg12 : memref<80x80xf32, #tpu.memory_space<vmem>>) target(%dma_start3A_60 : memref<80x80xf32, #tpu.memory_space<vmem_shared>>) target_semaphore(%run_scoped3A : memref<!tpu.dma_semaphore, #tpu.memory_space<semaphore_mem>>)
      %dma_wait3A = arith.constant 0 : i32
      %dma_wait3A_61 = tpu.memref_slice %arg14[%add3A_19, %dma_wait3A] : memref<10000x80xf32, #tpu.memory_space<vmem_shared>> -> memref<80x80xf32, #tpu.memory_space<vmem_shared>>
      %dma_wait3A_62 = arith.constant 0 : i32
      %dma_wait3A_63 = tpu.memref_slice %arg14[%add3A_19, %dma_wait3A_62] : memref<10000x80xf32, #tpu.memory_space<vmem_shared>> -> memref<80x80xf32, #tpu.memory_space<vmem_shared>>
      tpu.wait_dma2 semaphore(%run_scoped3A : memref<!tpu.dma_semaphore, #tpu.memory_space<semaphore_mem>>) src(%arg12 : memref<80x80xf32, #tpu.memory_space<vmem>>) dst(%dma_wait3A_63 : memref<80x80xf32, #tpu.memory_space<vmem_shared>>)
      tpu.yield
    }) : () -> ()
    %add3A_20 = arith.constant 560 : i32
    %add3A_21 = arith.addi %mul3A_6, %add3A_20 : i32
    "tpu.region"() ({
      %run_scoped3A = tpu.sem_alloc : memref<!tpu.dma_semaphore, #tpu.memory_space<semaphore_mem>>
      %dma_start3A = arith.constant 0 : i32
      %dma_start3A_58 = arith.constant 0 : i32
      %dma_start3A_59 = tpu.memref_slice %arg12[%dma_start3A, %dma_start3A_58] : memref<80x80xf32, #tpu.memory_space<vmem>> -> memref<65x80xf32, #tpu.memory_space<vmem>>
      %dma_start3A_60 = arith.constant 0 : i32
      %dma_start3A_61 = tpu.memref_slice %arg14[%add3A_21, %dma_start3A_60] : memref<10000x80xf32, #tpu.memory_space<vmem_shared>> -> memref<65x80xf32, #tpu.memory_space<vmem_shared>>
      %dma_start3A_62 = arith.constant 0 : i32
      %dma_start3A_63 = tpu.memref_slice %arg14[%add3A_21, %dma_start3A_62] : memref<10000x80xf32, #tpu.memory_space<vmem_shared>> -> memref<65x80xf32, #tpu.memory_space<vmem_shared>>
      %dma_start3A_64 = arith.constant 0 : i32
      %dma_start3A_65 = arith.constant 0 : i32
      %dma_start3A_66 = tpu.memref_slice %arg12[%dma_start3A_64, %dma_start3A_65] : memref<80x80xf32, #tpu.memory_space<vmem>> -> memref<65x80xf32, #tpu.memory_space<vmem>>
      tpu.enqueue_dma source(%dma_start3A_66 : memref<65x80xf32, #tpu.memory_space<vmem>>) target(%dma_start3A_63 : memref<65x80xf32, #tpu.memory_space<vmem_shared>>) target_semaphore(%run_scoped3A : memref<!tpu.dma_semaphore, #tpu.memory_space<semaphore_mem>>)
      %dma_wait3A = arith.constant 0 : i32
      %dma_wait3A_67 = arith.constant 0 : i32
      %dma_wait3A_68 = tpu.memref_slice %arg12[%dma_wait3A, %dma_wait3A_67] : memref<80x80xf32, #tpu.memory_space<vmem>> -> memref<65x80xf32, #tpu.memory_space<vmem>>
      %dma_wait3A_69 = arith.constant 0 : i32
      %dma_wait3A_70 = tpu.memref_slice %arg14[%add3A_21, %dma_wait3A_69] : memref<10000x80xf32, #tpu.memory_space<vmem_shared>> -> memref<65x80xf32, #tpu.memory_space<vmem_shared>>
      %dma_wait3A_71 = arith.constant 0 : i32
      %dma_wait3A_72 = tpu.memref_slice %arg14[%add3A_21, %dma_wait3A_71] : memref<10000x80xf32, #tpu.memory_space<vmem_shared>> -> memref<65x80xf32, #tpu.memory_space<vmem_shared>>
      %dma_wait3A_73 = arith.constant 0 : i32
      %dma_wait3A_74 = arith.constant 0 : i32
      %dma_wait3A_75 = tpu.memref_slice %arg12[%dma_wait3A_73, %dma_wait3A_74] : memref<80x80xf32, #tpu.memory_space<vmem>> -> memref<65x80xf32, #tpu.memory_space<vmem>>
      tpu.wait_dma2 semaphore(%run_scoped3A : memref<!tpu.dma_semaphore, #tpu.memory_space<semaphore_mem>>) src(%dma_wait3A_75 : memref<65x80xf32, #tpu.memory_space<vmem>>) dst(%dma_wait3A_72 : memref<65x80xf32, #tpu.memory_space<vmem_shared>>)
      tpu.yield
    }) : () -> ()
    "tpu.region"() ({
      %run_scoped3A = tpu.sem_alloc : memref<!tpu.dma_semaphore, #tpu.memory_space<semaphore_mem>>
      tpu.enqueue_dma source(%arg3 : memref<10000xf32, #tpu.memory_space<hbm>>) target(%arg8 : memref<10000xf32, #tpu.memory_space<vmem>>) target_semaphore(%run_scoped3A : memref<!tpu.dma_semaphore, #tpu.memory_space<semaphore_mem>>)
      tpu.wait_dma2 semaphore(%run_scoped3A : memref<!tpu.dma_semaphore, #tpu.memory_space<semaphore_mem>>) src(%arg3 : memref<10000xf32, #tpu.memory_space<hbm>>) dst(%arg8 : memref<10000xf32, #tpu.memory_space<vmem>>)
      tpu.yield
    }) : () -> ()
    "tpu.region"() ({
      %run_scoped3A = tpu.sem_alloc : memref<!tpu.dma_semaphore, #tpu.memory_space<semaphore_mem>>
      tpu.enqueue_dma source(%arg4 : memref<10000xf32, #tpu.memory_space<hbm>>) target(%arg9 : memref<10000xf32, #tpu.memory_space<vmem>>) target_semaphore(%run_scoped3A : memref<!tpu.dma_semaphore, #tpu.memory_space<semaphore_mem>>)
      tpu.wait_dma2 semaphore(%run_scoped3A : memref<!tpu.dma_semaphore, #tpu.memory_space<semaphore_mem>>) src(%arg4 : memref<10000xf32, #tpu.memory_space<hbm>>) dst(%arg9 : memref<10000xf32, #tpu.memory_space<vmem>>)
      tpu.yield
    }) : () -> ()
    "tpu.region"() ({
      %run_scoped3A = tpu.sem_alloc : memref<!tpu.dma_semaphore, #tpu.memory_space<semaphore_mem>>
      %dma_start3A = arith.constant 0 : i32
      %dma_start3A_58 = arith.constant 0 : i32
      %dma_start3A_59 = tpu.memref_slice %arg5[%arg0, %arg1, %dma_start3A, %dma_start3A_58] : memref<2x16x250x80xi32, #tpu.memory_space<hbm>> -> memref<1x1x250x80xi32, #tpu.memory_space<hbm>>
      %dma_start3A_60 = tpu.memref_squeeze %dma_start3A_59 : memref<1x1x250x80xi32, #tpu.memory_space<hbm>> -> memref<250x80xi32, #tpu.memory_space<hbm>>
      %dma_start3A_61 = arith.constant 0 : i32
      %dma_start3A_62 = arith.constant 0 : i32
      %dma_start3A_63 = tpu.memref_slice %arg5[%arg0, %arg1, %dma_start3A_61, %dma_start3A_62] : memref<2x16x250x80xi32, #tpu.memory_space<hbm>> -> memref<1x1x250x80xi32, #tpu.memory_space<hbm>>
      %dma_start3A_64 = tpu.memref_squeeze %dma_start3A_63 : memref<1x1x250x80xi32, #tpu.memory_space<hbm>> -> memref<250x80xi32, #tpu.memory_space<hbm>>
      tpu.enqueue_dma source(%dma_start3A_64 : memref<250x80xi32, #tpu.memory_space<hbm>>) target(%arg10 : memref<250x80xi32, #tpu.memory_space<vmem>>) target_semaphore(%run_scoped3A : memref<!tpu.dma_semaphore, #tpu.memory_space<semaphore_mem>>)
      %dma_wait3A = arith.constant 0 : i32
      %dma_wait3A_65 = arith.constant 0 : i32
      %dma_wait3A_66 = tpu.memref_slice %arg5[%arg0, %arg1, %dma_wait3A, %dma_wait3A_65] : memref<2x16x250x80xi32, #tpu.memory_space<hbm>> -> memref<1x1x250x80xi32, #tpu.memory_space<hbm>>
      %dma_wait3A_67 = tpu.memref_squeeze %dma_wait3A_66 : memref<1x1x250x80xi32, #tpu.memory_space<hbm>> -> memref<250x80xi32, #tpu.memory_space<hbm>>
      %dma_wait3A_68 = arith.constant 0 : i32
      %dma_wait3A_69 = arith.constant 0 : i32
      %dma_wait3A_70 = tpu.memref_slice %arg5[%arg0, %arg1, %dma_wait3A_68, %dma_wait3A_69] : memref<2x16x250x80xi32, #tpu.memory_space<hbm>> -> memref<1x1x250x80xi32, #tpu.memory_space<hbm>>
      %dma_wait3A_71 = tpu.memref_squeeze %dma_wait3A_70 : memref<1x1x250x80xi32, #tpu.memory_space<hbm>> -> memref<250x80xi32, #tpu.memory_space<hbm>>
      tpu.wait_dma2 semaphore(%run_scoped3A : memref<!tpu.dma_semaphore, #tpu.memory_space<semaphore_mem>>) src(%dma_wait3A_71 : memref<250x80xi32, #tpu.memory_space<hbm>>) dst(%arg10 : memref<250x80xi32, #tpu.memory_space<vmem>>)
      tpu.yield
    }) : () -> ()
    "tpu.region"() ({
      %run_scoped3A = tpu.sem_alloc : memref<!tpu.dma_semaphore, #tpu.memory_space<semaphore_mem>>
      %dma_start3A = arith.constant 0 : i32
      %dma_start3A_58 = arith.constant 0 : i32
      %dma_start3A_59 = tpu.memref_slice %arg6[%arg1, %dma_start3A, %dma_start3A_58] : memref<16x250x80xi32, #tpu.memory_space<hbm>> -> memref<1x250x80xi32, #tpu.memory_space<hbm>>
      %dma_start3A_60 = tpu.memref_squeeze %dma_start3A_59 : memref<1x250x80xi32, #tpu.memory_space<hbm>> -> memref<250x80xi32, #tpu.memory_space<hbm>>
      %dma_start3A_61 = arith.constant 0 : i32
      %dma_start3A_62 = arith.constant 0 : i32
      %dma_start3A_63 = tpu.memref_slice %arg6[%arg1, %dma_start3A_61, %dma_start3A_62] : memref<16x250x80xi32, #tpu.memory_space<hbm>> -> memref<1x250x80xi32, #tpu.memory_space<hbm>>
      %dma_start3A_64 = tpu.memref_squeeze %dma_start3A_63 : memref<1x250x80xi32, #tpu.memory_space<hbm>> -> memref<250x80xi32, #tpu.memory_space<hbm>>
      tpu.enqueue_dma source(%dma_start3A_64 : memref<250x80xi32, #tpu.memory_space<hbm>>) target(%arg11 : memref<250x80xi32, #tpu.memory_space<vmem>>) target_semaphore(%run_scoped3A : memref<!tpu.dma_semaphore, #tpu.memory_space<semaphore_mem>>)
      %dma_wait3A = arith.constant 0 : i32
      %dma_wait3A_65 = arith.constant 0 : i32
      %dma_wait3A_66 = tpu.memref_slice %arg6[%arg1, %dma_wait3A, %dma_wait3A_65] : memref<16x250x80xi32, #tpu.memory_space<hbm>> -> memref<1x250x80xi32, #tpu.memory_space<hbm>>
      %dma_wait3A_67 = tpu.memref_squeeze %dma_wait3A_66 : memref<1x250x80xi32, #tpu.memory_space<hbm>> -> memref<250x80xi32, #tpu.memory_space<hbm>>
      %dma_wait3A_68 = arith.constant 0 : i32
      %dma_wait3A_69 = arith.constant 0 : i32
      %dma_wait3A_70 = tpu.memref_slice %arg6[%arg1, %dma_wait3A_68, %dma_wait3A_69] : memref<16x250x80xi32, #tpu.memory_space<hbm>> -> memref<1x250x80xi32, #tpu.memory_space<hbm>>
      %dma_wait3A_71 = tpu.memref_squeeze %dma_wait3A_70 : memref<1x250x80xi32, #tpu.memory_space<hbm>> -> memref<250x80xi32, #tpu.memory_space<hbm>>
      tpu.wait_dma2 semaphore(%run_scoped3A : memref<!tpu.dma_semaphore, #tpu.memory_space<semaphore_mem>>) src(%dma_wait3A_71 : memref<250x80xi32, #tpu.memory_space<hbm>>) dst(%arg11 : memref<250x80xi32, #tpu.memory_space<vmem>>)
      tpu.yield
    }) : () -> ()
    %broadcast_in_dim3A = arith.constant 0xFF800000 : f32
    %broadcast_in_dim3A_22 = vector.broadcast %broadcast_in_dim3A : f32 to vector<16xf32>
    %scan3A_23 = arith.constant 0 : i32
    %scan3A_24 = arith.constant 625 : i32
    %scan3A_25 = arith.addi %scan3A_23, %scan3A_24 : i32
    %scan3A_26 = arith.constant 1 : i32
    %scan3A_27 = scf.for %scan3A_58 = %scan3A_23 to %scan3A_25 step %scan3A_26 iter_args(%scan3A_59 = %broadcast_in_dim3A_22) -> (vector<16xf32>)  : i32 {
      %mul3A_60 = arith.constant 16 : i32
      %mul3A_61 = arith.muli %scan3A_58, %mul3A_60 : i32
      %get3A = arith.index_cast %mul3A_61 : i32 to index
      %get3A_62 = tpu.vector_load %arg8[%get3A] {strides = array<i32>} : memref<10000xf32, #tpu.memory_space<vmem>>, vector<16xf32>,
      %max3A = arith.maximumf %scan3A_59, %get3A_62 : vector<16xf32>
      scf.yield %max3A : vector<16xf32>
    }
    %scan3A_28 = arith.constant 625 : i32
    %reduce_max3A = arith.constant true
    %reduce_max3A_29 = vector.broadcast %reduce_max3A : i1 to vector<16xi1>
    %reduce_max3A_30 = tpu.scan <max>, %scan3A_27 masked %reduce_max3A_29 : vector<16xf32>, vector<16xi1> -> vector<16xf32>
    %reduce_max3A_31 = vector.extract %reduce_max3A_30[15] : f32 from vector<16xf32>
    %broadcast_in_dim3A_32 = arith.constant 0xFF800000 : f32
    %broadcast_in_dim3A_33 = vector.broadcast %broadcast_in_dim3A_32 : f32 to vector<16xf32>
    %scan3A_34 = arith.constant 0 : i32
    %scan3A_35 = arith.constant 625 : i32
    %scan3A_36 = arith.addi %scan3A_34, %scan3A_35 : i32
    %scan3A_37 = arith.constant 1 : i32
    %scan3A_38 = scf.for %scan3A_58 = %scan3A_34 to %scan3A_36 step %scan3A_37 iter_args(%scan3A_59 = %broadcast_in_dim3A_33) -> (vector<16xf32>)  : i32 {
      %mul3A_60 = arith.constant 16 : i32
      %mul3A_61 = arith.muli %scan3A_58, %mul3A_60 : i32
      %get3A = arith.index_cast %mul3A_61 : i32 to index
      %get3A_62 = tpu.vector_load %arg9[%get3A] {strides = array<i32>} : memref<10000xf32, #tpu.memory_space<vmem>>, vector<16xf32>,
      %max3A = arith.maximumf %scan3A_59, %get3A_62 : vector<16xf32>
      scf.yield %max3A : vector<16xf32>
    }
    %scan3A_39 = arith.constant 625 : i32
    %reduce_max3A_40 = arith.constant true
    %reduce_max3A_41 = vector.broadcast %reduce_max3A_40 : i1 to vector<16xi1>
    %reduce_max3A_42 = tpu.scan <max>, %scan3A_38 masked %reduce_max3A_41 : vector<16xf32>, vector<16xi1> -> vector<16xf32>
    %reduce_max3A_43 = vector.extract %reduce_max3A_42[15] : f32 from vector<16xf32>
    %add3A_44 = arith.addf %reduce_max3A_31, %reduce_max3A_43 : f32
    %gt3A = arith.constant 0.000000e+00 : f32
    %gt3A_45 = arith.cmpf ogt, %add3A_44, %gt3A : f32
    %mul3A_46 = arith.constant 2.000000e-01 : f32
    %mul3A_47 = arith.mulf %add3A_44, %mul3A_46 : f32
    %select_n3A = arith.select %gt3A_45, %add3A_44, %mul3A_47 : f32
    %mul3A_48 = arith.constant 10000 : i32
    %mul3A_49 = arith.muli %arg0, %mul3A_48 : i32
    %barrier3A = arith.constant 0 : index
    tpu.barrier barrier_id(%barrier3A)
    %scan3A_50 = arith.constant 0 : i32
    %scan3A_51 = arith.constant 0 : i32
    %scan3A_52 = arith.constant 250 : i32
    %scan3A_53 = arith.addi %scan3A_51, %scan3A_52 : i32
    %scan3A_54 = arith.constant 1 : i32
    %scan3A_55 = scf.for %scan3A_58 = %scan3A_51 to %scan3A_53 step %scan3A_54 iter_args(%scan3A_59 = %scan3A_50) -> (i32)  : i32 {
      %dma_start3A = arith.constant 0 : i32
      %dma_start3A_60 = tpu.memref_slice %arg10[%scan3A_58, %dma_start3A] : memref<250x80xi32, #tpu.memory_space<vmem>> -> memref<1x80xi32, #tpu.memory_space<vmem>>
      %dma_start3A_61 = tpu.memref_squeeze %dma_start3A_60 : memref<1x80xi32, #tpu.memory_space<vmem>> -> memref<80xi32, #tpu.memory_space<vmem>>
      %dma_start3A_62 = arith.constant 0 : i32
      %dma_start3A_63 = arith.constant 0 : i32
      %dma_start3A_64 = tpu.memref_slice %arg2[%dma_start3A_62, %dma_start3A_63] : memref<20000x80xf32, #tpu.memory_space<hbm>> -> memref<20000x80xf32, #tpu.memory_space<hbm>>
      tpu.enqueue_indirect_dma source(%dma_start3A_64 : memref<20000x80xf32, #tpu.memory_space<hbm>>) target(%arg12 : memref<80x80xf32, #tpu.memory_space<vmem>>) offsets(%dma_start3A_61 : memref<80xi32, #tpu.memory_space<vmem>>) semaphore(%arg15 : memref<!tpu.dma_semaphore, #tpu.memory_space<semaphore_mem>>)
      %get3A = arith.index_cast %scan3A_58 : i32 to index
      %get3A_65 = arith.constant 0 : index
      %get3A_66 = tpu.vector_load %arg10[%get3A, %get3A_65] {strides = array<i32>} : memref<250x80xi32, #tpu.memory_space<vmem>>, vector<16xi32>,
      %sub3A = vector.broadcast %mul3A_49 : i32 to vector<16xi32>
      %sub3A_67 = arith.subi %get3A_66, %sub3A : vector<16xi32>
      %get3A_68 = arith.index_cast %scan3A_58 : i32 to index
      %get3A_69 = arith.constant 0 : index
      %get3A_70 = tpu.vector_load %arg11[%get3A_68, %get3A_69] {strides = array<i32>} : memref<250x80xi32, #tpu.memory_space<vmem>>, vector<16xi32>,
      %gather3A = tpu.vector_load_idx %arg8[%sub3A_67] : memref<10000xf32, #tpu.memory_space<vmem>>[vector<16xi32>], vector<16xf32>,
      %gather3A_71 = tpu.vector_load_idx %arg9[%get3A_70] : memref<10000xf32, #tpu.memory_space<vmem>>[vector<16xi32>], vector<16xf32>,
      %add3A_72 = arith.addf %gather3A, %gather3A_71 : vector<16xf32>
      %ge3A = arith.constant 0.000000e+00 : f32
      %ge3A_73 = vector.broadcast %ge3A : f32 to vector<16xf32>
      %ge3A_74 = arith.cmpf oge, %add3A_72, %ge3A_73 : vector<16xf32>
      %mul3A_75 = arith.constant 2.000000e-01 : f32
      %mul3A_76 = vector.broadcast %mul3A_75 : f32 to vector<16xf32>
      %mul3A_77 = arith.mulf %add3A_72, %mul3A_76 : vector<16xf32>
      %select_n3A_78 = arith.select %ge3A_74, %add3A_72, %mul3A_77 : vector<16xi1>, vector<16xf32>
      %sub3A_79 = vector.broadcast %select_n3A : f32 to vector<16xf32>
      %sub3A_80 = arith.subf %select_n3A_78, %sub3A_79 : vector<16xf32>
      %exp3A = math.exp %sub3A_80 : vector<16xf32>
      %swap3A = arith.constant 0 : index
      %swap3A_81 = tpu.vector_load %arg13[%swap3A] {strides = array<i32>} : memref<96xf32, #tpu.memory_space<vmem>>, vector<16xf32>,
      tpu.vector_store %arg13[%swap3A], %exp3A {strides = array<i32>} : memref<96xf32, #tpu.memory_space<vmem>>, vector<16xf32>,
      %get3A_82 = arith.index_cast %scan3A_58 : i32 to index
      %get3A_83 = arith.constant 16 : index
      %get3A_84 = tpu.vector_load %arg10[%get3A_82, %get3A_83] {strides = array<i32>} : memref<250x80xi32, #tpu.memory_space<vmem>>, vector<16xi32>,
      %sub3A_85 = vector.broadcast %mul3A_49 : i32 to vector<16xi32>
      %sub3A_86 = arith.subi %get3A_84, %sub3A_85 : vector<16xi32>
      %get3A_87 = arith.index_cast %scan3A_58 : i32 to index
      %get3A_88 = arith.constant 16 : index
      %get3A_89 = tpu.vector_load %arg11[%get3A_87, %get3A_88] {strides = array<i32>} : memref<250x80xi32, #tpu.memory_space<vmem>>, vector<16xi32>,
      %gather3A_90 = tpu.vector_load_idx %arg8[%sub3A_86] : memref<10000xf32, #tpu.memory_space<vmem>>[vector<16xi32>], vector<16xf32>,
      %gather3A_91 = tpu.vector_load_idx %arg9[%get3A_89] : memref<10000xf32, #tpu.memory_space<vmem>>[vector<16xi32>], vector<16xf32>,
      %add3A_92 = arith.addf %gather3A_90, %gather3A_91 : vector<16xf32>
      %ge3A_93 = arith.constant 0.000000e+00 : f32
      %ge3A_94 = vector.broadcast %ge3A_93 : f32 to vector<16xf32>
      %ge3A_95 = arith.cmpf oge, %add3A_92, %ge3A_94 : vector<16xf32>
      %mul3A_96 = arith.constant 2.000000e-01 : f32
      %mul3A_97 = vector.broadcast %mul3A_96 : f32 to vector<16xf32>
      %mul3A_98 = arith.mulf %add3A_92, %mul3A_97 : vector<16xf32>
      %select_n3A_99 = arith.select %ge3A_95, %add3A_92, %mul3A_98 : vector<16xi1>, vector<16xf32>
      %sub3A_100 = vector.broadcast %select_n3A : f32 to vector<16xf32>
      %sub3A_101 = arith.subf %select_n3A_99, %sub3A_100 : vector<16xf32>
      %exp3A_102 = math.exp %sub3A_101 : vector<16xf32>
      %swap3A_103 = arith.constant 16 : index
      %swap3A_104 = tpu.vector_load %arg13[%swap3A_103] {strides = array<i32>} : memref<96xf32, #tpu.memory_space<vmem>>, vector<16xf32>,
      tpu.vector_store %arg13[%swap3A_103], %exp3A_102 {strides = array<i32>} : memref<96xf32, #tpu.memory_space<vmem>>, vector<16xf32>,
      %get3A_105 = arith.index_cast %scan3A_58 : i32 to index
      %get3A_106 = arith.constant 32 : index
      %get3A_107 = tpu.vector_load %arg10[%get3A_105, %get3A_106] {strides = array<i32>} : memref<250x80xi32, #tpu.memory_space<vmem>>, vector<16xi32>,
      %sub3A_108 = vector.broadcast %mul3A_49 : i32 to vector<16xi32>
      %sub3A_109 = arith.subi %get3A_107, %sub3A_108 : vector<16xi32>
      %get3A_110 = arith.index_cast %scan3A_58 : i32 to index
      %get3A_111 = arith.constant 32 : index
      %get3A_112 = tpu.vector_load %arg11[%get3A_110, %get3A_111] {strides = array<i32>} : memref<250x80xi32, #tpu.memory_space<vmem>>, vector<16xi32>,
      %gather3A_113 = tpu.vector_load_idx %arg8[%sub3A_109] : memref<10000xf32, #tpu.memory_space<vmem>>[vector<16xi32>], vector<16xf32>,
      %gather3A_114 = tpu.vector_load_idx %arg9[%get3A_112] : memref<10000xf32, #tpu.memory_space<vmem>>[vector<16xi32>], vector<16xf32>,
      %add3A_115 = arith.addf %gather3A_113, %gather3A_114 : vector<16xf32>
      %ge3A_116 = arith.constant 0.000000e+00 : f32
      %ge3A_117 = vector.broadcast %ge3A_116 : f32 to vector<16xf32>
      %ge3A_118 = arith.cmpf oge, %add3A_115, %ge3A_117 : vector<16xf32>
      %mul3A_119 = arith.constant 2.000000e-01 : f32
      %mul3A_120 = vector.broadcast %mul3A_119 : f32 to vector<16xf32>
      %mul3A_121 = arith.mulf %add3A_115, %mul3A_120 : vector<16xf32>
      %select_n3A_122 = arith.select %ge3A_118, %add3A_115, %mul3A_121 : vector<16xi1>, vector<16xf32>
      %sub3A_123 = vector.broadcast %select_n3A : f32 to vector<16xf32>
      %sub3A_124 = arith.subf %select_n3A_122, %sub3A_123 : vector<16xf32>
      %exp3A_125 = math.exp %sub3A_124 : vector<16xf32>
      %swap3A_126 = arith.constant 32 : index
      %swap3A_127 = tpu.vector_load %arg13[%swap3A_126] {strides = array<i32>} : memref<96xf32, #tpu.memory_space<vmem>>, vector<16xf32>,
      tpu.vector_store %arg13[%swap3A_126], %exp3A_125 {strides = array<i32>} : memref<96xf32, #tpu.memory_space<vmem>>, vector<16xf32>,
      %get3A_128 = arith.index_cast %scan3A_58 : i32 to index
      %get3A_129 = arith.constant 48 : index
      %get3A_130 = tpu.vector_load %arg10[%get3A_128, %get3A_129] {strides = array<i32>} : memref<250x80xi32, #tpu.memory_space<vmem>>, vector<16xi32>,
      %sub3A_131 = vector.broadcast %mul3A_49 : i32 to vector<16xi32>
      %sub3A_132 = arith.subi %get3A_130, %sub3A_131 : vector<16xi32>
      %get3A_133 = arith.index_cast %scan3A_58 : i32 to index
      %get3A_134 = arith.constant 48 : index
      %get3A_135 = tpu.vector_load %arg11[%get3A_133, %get3A_134] {strides = array<i32>} : memref<250x80xi32, #tpu.memory_space<vmem>>, vector<16xi32>,
      %gather3A_136 = tpu.vector_load_idx %arg8[%sub3A_132] : memref<10000xf32, #tpu.memory_space<vmem>>[vector<16xi32>], vector<16xf32>,
      %gather3A_137 = tpu.vector_load_idx %arg9[%get3A_135] : memref<10000xf32, #tpu.memory_space<vmem>>[vector<16xi32>], vector<16xf32>,
      %add3A_138 = arith.addf %gather3A_136, %gather3A_137 : vector<16xf32>
      %ge3A_139 = arith.constant 0.000000e+00 : f32
      %ge3A_140 = vector.broadcast %ge3A_139 : f32 to vector<16xf32>
      %ge3A_141 = arith.cmpf oge, %add3A_138, %ge3A_140 : vector<16xf32>
      %mul3A_142 = arith.constant 2.000000e-01 : f32
      %mul3A_143 = vector.broadcast %mul3A_142 : f32 to vector<16xf32>
      %mul3A_144 = arith.mulf %add3A_138, %mul3A_143 : vector<16xf32>
      %select_n3A_145 = arith.select %ge3A_141, %add3A_138, %mul3A_144 : vector<16xi1>, vector<16xf32>
      %sub3A_146 = vector.broadcast %select_n3A : f32 to vector<16xf32>
      %sub3A_147 = arith.subf %select_n3A_145, %sub3A_146 : vector<16xf32>
      %exp3A_148 = math.exp %sub3A_147 : vector<16xf32>
      %swap3A_149 = arith.constant 48 : index
      %swap3A_150 = tpu.vector_load %arg13[%swap3A_149] {strides = array<i32>} : memref<96xf32, #tpu.memory_space<vmem>>, vector<16xf32>,
      tpu.vector_store %arg13[%swap3A_149], %exp3A_148 {strides = array<i32>} : memref<96xf32, #tpu.memory_space<vmem>>, vector<16xf32>,
      %get3A_151 = arith.index_cast %scan3A_58 : i32 to index
      %get3A_152 = arith.constant 64 : index
      %get3A_153 = tpu.vector_load %arg10[%get3A_151, %get3A_152] {strides = array<i32>} : memref<250x80xi32, #tpu.memory_space<vmem>>, vector<16xi32>,
      %sub3A_154 = vector.broadcast %mul3A_49 : i32 to vector<16xi32>
      %sub3A_155 = arith.subi %get3A_153, %sub3A_154 : vector<16xi32>
      %get3A_156 = arith.index_cast %scan3A_58 : i32 to index
      %get3A_157 = arith.constant 64 : index
      %get3A_158 = tpu.vector_load %arg11[%get3A_156, %get3A_157] {strides = array<i32>} : memref<250x80xi32, #tpu.memory_space<vmem>>, vector<16xi32>,
      %gather3A_159 = tpu.vector_load_idx %arg8[%sub3A_155] : memref<10000xf32, #tpu.memory_space<vmem>>[vector<16xi32>], vector<16xf32>,
      %gather3A_160 = tpu.vector_load_idx %arg9[%get3A_158] : memref<10000xf32, #tpu.memory_space<vmem>>[vector<16xi32>], vector<16xf32>,
      %add3A_161 = arith.addf %gather3A_159, %gather3A_160 : vector<16xf32>
      %ge3A_162 = arith.constant 0.000000e+00 : f32
      %ge3A_163 = vector.broadcast %ge3A_162 : f32 to vector<16xf32>
      %ge3A_164 = arith.cmpf oge, %add3A_161, %ge3A_163 : vector<16xf32>
      %mul3A_165 = arith.constant 2.000000e-01 : f32
      %mul3A_166 = vector.broadcast %mul3A_165 : f32 to vector<16xf32>
      %mul3A_167 = arith.mulf %add3A_161, %mul3A_166 : vector<16xf32>
      %select_n3A_168 = arith.select %ge3A_164, %add3A_161, %mul3A_167 : vector<16xi1>, vector<16xf32>
      %sub3A_169 = vector.broadcast %select_n3A : f32 to vector<16xf32>
      %sub3A_170 = arith.subf %select_n3A_168, %sub3A_169 : vector<16xf32>
      %exp3A_171 = math.exp %sub3A_170 : vector<16xf32>
      %swap3A_172 = arith.constant 64 : index
      %swap3A_173 = tpu.vector_load %arg13[%swap3A_172] {strides = array<i32>} : memref<96xf32, #tpu.memory_space<vmem>>, vector<16xf32>,
      tpu.vector_store %arg13[%swap3A_172], %exp3A_171 {strides = array<i32>} : memref<96xf32, #tpu.memory_space<vmem>>, vector<16xf32>,
      %dma_wait3A = arith.constant 0 : i32
      %dma_wait3A_174 = tpu.memref_slice %arg10[%scan3A_58, %dma_wait3A] : memref<250x80xi32, #tpu.memory_space<vmem>> -> memref<1x80xi32, #tpu.memory_space<vmem>>
      %dma_wait3A_175 = tpu.memref_squeeze %dma_wait3A_174 : memref<1x80xi32, #tpu.memory_space<vmem>> -> memref<80xi32, #tpu.memory_space<vmem>>
      %dma_wait3A_176 = arith.constant 0 : i32
      %dma_wait3A_177 = arith.constant 0 : i32
      %dma_wait3A_178 = tpu.memref_slice %arg2[%dma_wait3A_176, %dma_wait3A_177] : memref<20000x80xf32, #tpu.memory_space<hbm>> -> memref<20000x80xf32, #tpu.memory_space<hbm>>
      tpu.wait_indirect_dma semaphore(%arg15 : memref<!tpu.dma_semaphore, #tpu.memory_space<semaphore_mem>>) src(%dma_wait3A_178 : memref<20000x80xf32, #tpu.memory_space<hbm>>) dst(%arg12 : memref<80x80xf32, #tpu.memory_space<vmem>>)
      %scan3A_179 = arith.constant 0 : i32
      %scan3A_180 = arith.constant 0 : i32
      %scan3A_181 = arith.constant 80 : i32
      %scan3A_182 = arith.addi %scan3A_180, %scan3A_181 : i32
      %scan3A_183 = arith.constant 1 : i32
      %scan3A_184 = scf.for %scan3A_187 = %scan3A_180 to %scan3A_182 step %scan3A_183 iter_args(%scan3A_188 = %scan3A_179) -> (i32)  : i32 {
        %get3A_189 = arith.index_cast %scan3A_187 : i32 to index
        %get3A_190 = tpu.vector_load %arg13[%get3A_189] {strides = array<i32>} : memref<96xf32, #tpu.memory_space<vmem>>, vector<16xf32>,
        %slice3A = vector.extract_strided_slice %get3A_190 {offsets = [0], sizes = [1], strides = [1]} : vector<16xf32> to vector<1xf32>
        %squeeze3A = vector.extract %slice3A[0] : f32 from vector<1xf32>
        %get3A_191 = arith.index_cast %scan3A_187 : i32 to index
        %get3A_192 = arith.constant 0 : index
        %get3A_193 = tpu.vector_load %arg12[%get3A_191, %get3A_192] {strides = array<i32>} : memref<80x80xf32, #tpu.memory_space<vmem>>, vector<16xf32>,
        %mul3A_194 = vector.broadcast %squeeze3A : f32 to vector<16xf32>
        %mul3A_195 = arith.mulf %get3A_193, %mul3A_194 : vector<16xf32>
        %swap3A_196 = arith.index_cast %scan3A_187 : i32 to index
        %swap3A_197 = arith.constant 0 : index
        %swap3A_198 = tpu.vector_load %arg12[%swap3A_196, %swap3A_197] {strides = array<i32>} : memref<80x80xf32, #tpu.memory_space<vmem>>, vector<16xf32>,
        tpu.vector_store %arg12[%swap3A_196, %swap3A_197], %mul3A_195 {strides = array<i32>} : memref<80x80xf32, #tpu.memory_space<vmem>>, vector<16xf32>,
        %get3A_199 = arith.index_cast %scan3A_187 : i32 to index
        %get3A_200 = arith.constant 16 : index
        %get3A_201 = tpu.vector_load %arg12[%get3A_199, %get3A_200] {strides = array<i32>} : memref<80x80xf32, #tpu.memory_space<vmem>>, vector<16xf32>,
        %mul3A_202 = vector.broadcast %squeeze3A : f32 to vector<16xf32>
        %mul3A_203 = arith.mulf %get3A_201, %mul3A_202 : vector<16xf32>
        %swap3A_204 = arith.index_cast %scan3A_187 : i32 to index
        %swap3A_205 = arith.constant 16 : index
        %swap3A_206 = tpu.vector_load %arg12[%swap3A_204, %swap3A_205] {strides = array<i32>} : memref<80x80xf32, #tpu.memory_space<vmem>>, vector<16xf32>,
        tpu.vector_store %arg12[%swap3A_204, %swap3A_205], %mul3A_203 {strides = array<i32>} : memref<80x80xf32, #tpu.memory_space<vmem>>, vector<16xf32>,
        %get3A_207 = arith.index_cast %scan3A_187 : i32 to index
        %get3A_208 = arith.constant 32 : index
        %get3A_209 = tpu.vector_load %arg12[%get3A_207, %get3A_208] {strides = array<i32>} : memref<80x80xf32, #tpu.memory_space<vmem>>, vector<16xf32>,
        %mul3A_210 = vector.broadcast %squeeze3A : f32 to vector<16xf32>
        %mul3A_211 = arith.mulf %get3A_209, %mul3A_210 : vector<16xf32>
        %swap3A_212 = arith.index_cast %scan3A_187 : i32 to index
        %swap3A_213 = arith.constant 32 : index
        %swap3A_214 = tpu.vector_load %arg12[%swap3A_212, %swap3A_213] {strides = array<i32>} : memref<80x80xf32, #tpu.memory_space<vmem>>, vector<16xf32>,
        tpu.vector_store %arg12[%swap3A_212, %swap3A_213], %mul3A_211 {strides = array<i32>} : memref<80x80xf32, #tpu.memory_space<vmem>>, vector<16xf32>,
        %get3A_215 = arith.index_cast %scan3A_187 : i32 to index
        %get3A_216 = arith.constant 48 : index
        %get3A_217 = tpu.vector_load %arg12[%get3A_215, %get3A_216] {strides = array<i32>} : memref<80x80xf32, #tpu.memory_space<vmem>>, vector<16xf32>,
        %mul3A_218 = vector.broadcast %squeeze3A : f32 to vector<16xf32>
        %mul3A_219 = arith.mulf %get3A_217, %mul3A_218 : vector<16xf32>
        %swap3A_220 = arith.index_cast %scan3A_187 : i32 to index
        %swap3A_221 = arith.constant 48 : index
        %swap3A_222 = tpu.vector_load %arg12[%swap3A_220, %swap3A_221] {strides = array<i32>} : memref<80x80xf32, #tpu.memory_space<vmem>>, vector<16xf32>,
        tpu.vector_store %arg12[%swap3A_220, %swap3A_221], %mul3A_219 {strides = array<i32>} : memref<80x80xf32, #tpu.memory_space<vmem>>, vector<16xf32>,
        %get3A_223 = arith.index_cast %scan3A_187 : i32 to index
        %get3A_224 = arith.constant 64 : index
        %get3A_225 = tpu.vector_load %arg12[%get3A_223, %get3A_224] {strides = array<i32>} : memref<80x80xf32, #tpu.memory_space<vmem>>, vector<16xf32>,
        %mul3A_226 = vector.broadcast %squeeze3A : f32 to vector<16xf32>
        %mul3A_227 = arith.mulf %get3A_225, %mul3A_226 : vector<16xf32>
        %swap3A_228 = arith.index_cast %scan3A_187 : i32 to index
        %swap3A_229 = arith.constant 64 : index
        %swap3A_230 = tpu.vector_load %arg12[%swap3A_228, %swap3A_229] {strides = array<i32>} : memref<80x80xf32, #tpu.memory_space<vmem>>, vector<16xf32>,
        tpu.vector_store %arg12[%swap3A_228, %swap3A_229], %mul3A_227 {strides = array<i32>} : memref<80x80xf32, #tpu.memory_space<vmem>>, vector<16xf32>,
        %scan3A_231 = arith.constant 0 : i32
        scf.yield %scan3A_231 : i32
      }
      %scan3A_185 = arith.constant 80 : i32
      "tpu.region"() ({
        %run_scoped3A = tpu.sem_alloc : memref<!tpu.dma_semaphore, #tpu.memory_space<semaphore_mem>>
        %dma_start3A_187 = arith.constant 0 : i32
        %dma_start3A_188 = tpu.memref_slice %arg11[%scan3A_58, %dma_start3A_187] : memref<250x80xi32, #tpu.memory_space<vmem>> -> memref<1x80xi32, #tpu.memory_space<vmem>>
        %dma_start3A_189 = tpu.memref_squeeze %dma_start3A_188 : memref<1x80xi32, #tpu.memory_space<vmem>> -> memref<80xi32, #tpu.memory_space<vmem>>
        %dma_start3A_190 = arith.constant 0 : i32
        %dma_start3A_191 = arith.constant 0 : i32
        %dma_start3A_192 = tpu.memref_slice %arg14[%dma_start3A_190, %dma_start3A_191] : memref<10000x80xf32, #tpu.memory_space<vmem_shared>> -> memref<10000x80xf32, #tpu.memory_space<vmem_shared>>
        tpu.enqueue_indirect_dma source(%arg12 : memref<80x80xf32, #tpu.memory_space<vmem>>) target(%dma_start3A_192 : memref<10000x80xf32, #tpu.memory_space<vmem_shared>>) offsets(%dma_start3A_189 : memref<80xi32, #tpu.memory_space<vmem>>) semaphore(%run_scoped3A : memref<!tpu.dma_semaphore, #tpu.memory_space<semaphore_mem>>) {add = true}
        %dma_wait3A_193 = arith.constant 0 : i32
        %dma_wait3A_194 = tpu.memref_slice %arg11[%scan3A_58, %dma_wait3A_193] : memref<250x80xi32, #tpu.memory_space<vmem>> -> memref<1x80xi32, #tpu.memory_space<vmem>>
        %dma_wait3A_195 = tpu.memref_squeeze %dma_wait3A_194 : memref<1x80xi32, #tpu.memory_space<vmem>> -> memref<80xi32, #tpu.memory_space<vmem>>
        %dma_wait3A_196 = arith.constant 0 : i32
        %dma_wait3A_197 = arith.constant 0 : i32
        %dma_wait3A_198 = tpu.memref_slice %arg14[%dma_wait3A_196, %dma_wait3A_197] : memref<10000x80xf32, #tpu.memory_space<vmem_shared>> -> memref<10000x80xf32, #tpu.memory_space<vmem_shared>>
        tpu.wait_indirect_dma semaphore(%run_scoped3A : memref<!tpu.dma_semaphore, #tpu.memory_space<semaphore_mem>>) src(%arg12 : memref<80x80xf32, #tpu.memory_space<vmem>>) dst(%dma_wait3A_198 : memref<10000x80xf32, #tpu.memory_space<vmem_shared>>)
        tpu.yield
      }) : () -> ()
      %scan3A_186 = arith.constant 0 : i32
      scf.yield %scan3A_186 : i32
    }
    %scan3A_56 = arith.constant 250 : i32
    %barrier3A_57 = arith.constant 0 : index
    tpu.barrier barrier_id(%barrier3A_57)
    "tpu.region"() ({
      %run_scoped3A = tpu.sem_alloc : memref<!tpu.dma_semaphore, #tpu.memory_space<semaphore_mem>>
      %dma_start3A = arith.constant 0 : i32
      %dma_start3A_58 = tpu.memref_slice %arg7[%arg0, %mul3A_6, %dma_start3A] : memref<2x10000x80xf32, #tpu.memory_space<hbm>> -> memref<1x625x80xf32, #tpu.memory_space<hbm>>
      %dma_start3A_59 = tpu.memref_squeeze %dma_start3A_58 : memref<1x625x80xf32, #tpu.memory_space<hbm>> -> memref<625x80xf32, #tpu.memory_space<hbm>>
      %dma_start3A_60 = arith.constant 0 : i32
      %dma_start3A_61 = tpu.memref_slice %arg14[%mul3A_6, %dma_start3A_60] : memref<10000x80xf32, #tpu.memory_space<vmem_shared>> -> memref<625x80xf32, #tpu.memory_space<vmem_shared>>
      tpu.enqueue_dma source(%dma_start3A_61 : memref<625x80xf32, #tpu.memory_space<vmem_shared>>) target(%dma_start3A_59 : memref<625x80xf32, #tpu.memory_space<hbm>>) target_semaphore(%run_scoped3A : memref<!tpu.dma_semaphore, #tpu.memory_space<semaphore_mem>>)
      %dma_wait3A = arith.constant 0 : i32
      %dma_wait3A_62 = tpu.memref_slice %arg7[%arg0, %mul3A_6, %dma_wait3A] : memref<2x10000x80xf32, #tpu.memory_space<hbm>> -> memref<1x625x80xf32, #tpu.memory_space<hbm>>
      %dma_wait3A_63 = tpu.memref_squeeze %dma_wait3A_62 : memref<1x625x80xf32, #tpu.memory_space<hbm>> -> memref<625x80xf32, #tpu.memory_space<hbm>>
      %dma_wait3A_64 = arith.constant 0 : i32
      %dma_wait3A_65 = tpu.memref_slice %arg14[%mul3A_6, %dma_wait3A_64] : memref<10000x80xf32, #tpu.memory_space<vmem_shared>> -> memref<625x80xf32, #tpu.memory_space<vmem_shared>>
      tpu.wait_dma2 semaphore(%run_scoped3A : memref<!tpu.dma_semaphore, #tpu.memory_space<semaphore_mem>>) src(%dma_wait3A_65 : memref<625x80xf32, #tpu.memory_space<vmem_shared>>) dst(%dma_wait3A_63 : memref<625x80xf32, #tpu.memory_space<hbm>>)
      tpu.yield
    }) : () -> ()
    return
  }
}

module attributes {stable_mosaic.version = 14 : i64} {
  func.func @_pre_body(%arg0: memref<10000x128xf32, #tpu.memory_space<vmem>>, %arg1: memref<128x128xf32, #tpu.memory_space<vmem>>, %arg2: memref<128xf32, #tpu.memory_space<vmem>>, %arg3: memref<128xf32, #tpu.memory_space<vmem>>, %arg4: memref<20000x80xf32, #tpu.memory_space<vmem>>, %arg5: memref<10000x1xf32, #tpu.memory_space<vmem>>, %arg6: memref<10000x1xf32, #tpu.memory_space<vmem>>) attributes {dimension_semantics = [], scalar_prefetch = 0 : i64, scratch_operands = 0 : i64, tpu.core_type = #tpu.core_type<tc>} {
    %get3A = arith.constant 0 : index
    %get3A_0 = arith.constant 0 : index
    %get3A_1 = vector.load %arg0[%get3A, %get3A_0] : memref<10000x128xf32, #tpu.memory_space<vmem>>, vector<10000x128xf32>
    %get3A_2 = arith.constant 0 : index
    %get3A_3 = arith.constant 0 : index
    %get3A_4 = vector.load %arg1[%get3A_2, %get3A_3] : memref<128x128xf32, #tpu.memory_space<vmem>>, vector<128x128xf32>
    %dot_general3A = arith.constant dense<0.000000e+00> : vector<10000x128xf32>
    %dot_general3A_5 = tpu.matmul %get3A_1, %get3A_4, %dot_general3A {dimension_numbers = #tpu.dot_dimension_numbers<[1], [0], [0], [1], [0, 0, 1, 1], [], []>, transpose_lhs_hint = false} : vector<10000x128xf32>, vector<128x128xf32>, vector<10000x128xf32> -> vector<10000x128xf32>
    %broadcast_in_dim3A = arith.constant 1.000000e+00 : f32
    %broadcast_in_dim3A_6 = vector.broadcast %broadcast_in_dim3A : f32 to vector<10000x1xf32>
    %broadcast_in_dim3A_7 = arith.constant 0.000000e+00 : f32
    %broadcast_in_dim3A_8 = vector.broadcast %broadcast_in_dim3A_7 : f32 to vector<10000x15xf32>
    %slice3A = vector.extract_strided_slice %dot_general3A_5 {offsets = [0, 0], sizes = [10000, 64], strides = [1, 1]} : vector<10000x128xf32> to vector<10000x64xf32>
    %concatenate3A = tpu.concatenate %slice3A, %broadcast_in_dim3A_6, %broadcast_in_dim3A_8 in 1 : vector<10000x64xf32>, vector<10000x1xf32>, vector<10000x15xf32> -> vector<10000x80xf32>
    %slice3A_9 = vector.extract_strided_slice %dot_general3A_5 {offsets = [0, 64], sizes = [10000, 64], strides = [1, 1]} : vector<10000x128xf32> to vector<10000x64xf32>
    %concatenate3A_10 = tpu.concatenate %slice3A_9, %broadcast_in_dim3A_6, %broadcast_in_dim3A_8 in 1 : vector<10000x64xf32>, vector<10000x1xf32>, vector<10000x15xf32> -> vector<10000x80xf32>
    %concatenate3A_11 = tpu.concatenate %concatenate3A, %concatenate3A_10 in 0 : vector<10000x80xf32>, vector<10000x80xf32> -> vector<20000x80xf32>
    %swap3A = arith.constant 0 : index
    %swap3A_12 = arith.constant 0 : index
    %swap3A_13 = vector.load %arg4[%swap3A, %swap3A_12] : memref<20000x80xf32, #tpu.memory_space<vmem>>, vector<20000x80xf32>
    tpu.vector_store %arg4[%swap3A, %swap3A_12], %concatenate3A_11 {strides = array<i32>} : memref<20000x80xf32, #tpu.memory_space<vmem>>, vector<20000x80xf32>,
    %get3A_14 = arith.constant 0 : index
    %get3A_15 = vector.load %arg2[%get3A_14] : memref<128xf32, #tpu.memory_space<vmem>>, vector<128xf32>
    %broadcast_in_dim3A_16 = vector.shape_cast %get3A_15 : vector<128xf32> to vector<1x128xf32>
    %mul3A = vector.broadcast %broadcast_in_dim3A_16 : vector<1x128xf32> to vector<10000x128xf32>
    %mul3A_17 = arith.mulf %dot_general3A_5, %mul3A : vector<10000x128xf32>
    %reduce_sum3A = arith.constant dense<0.000000e+00> : vector<10000xf32>
    %reduce_sum3A_18 = vector.multi_reduction <add>, %mul3A_17, %reduce_sum3A [1] : vector<10000x128xf32> to vector<10000xf32>
    %broadcast_in_dim3A_19 = vector.shape_cast %reduce_sum3A_18 : vector<10000xf32> to vector<10000x1xf32>
    %swap3A_20 = arith.constant 0 : index
    %swap3A_21 = arith.constant 0 : index
    %swap3A_22 = vector.load %arg5[%swap3A_20, %swap3A_21] : memref<10000x1xf32, #tpu.memory_space<vmem>>, vector<10000x1xf32>
    tpu.vector_store %arg5[%swap3A_20, %swap3A_21], %broadcast_in_dim3A_19 {strides = array<i32>} : memref<10000x1xf32, #tpu.memory_space<vmem>>, vector<10000x1xf32>,
    %get3A_23 = arith.constant 0 : index
    %get3A_24 = vector.load %arg3[%get3A_23] : memref<128xf32, #tpu.memory_space<vmem>>, vector<128xf32>
    %broadcast_in_dim3A_25 = vector.shape_cast %get3A_24 : vector<128xf32> to vector<1x128xf32>
    %mul3A_26 = vector.broadcast %broadcast_in_dim3A_25 : vector<1x128xf32> to vector<10000x128xf32>
    %mul3A_27 = arith.mulf %dot_general3A_5, %mul3A_26 : vector<10000x128xf32>
    %reduce_sum3A_28 = arith.constant dense<0.000000e+00> : vector<10000xf32>
    %reduce_sum3A_29 = vector.multi_reduction <add>, %mul3A_27, %reduce_sum3A_28 [1] : vector<10000x128xf32> to vector<10000xf32>
    %broadcast_in_dim3A_30 = vector.shape_cast %reduce_sum3A_29 : vector<10000xf32> to vector<10000x1xf32>
    %swap3A_31 = arith.constant 0 : index
    %swap3A_32 = arith.constant 0 : index
    %swap3A_33 = vector.load %arg6[%swap3A_31, %swap3A_32] : memref<10000x1xf32, #tpu.memory_space<vmem>>, vector<10000x1xf32>
    tpu.vector_store %arg6[%swap3A_31, %swap3A_32], %broadcast_in_dim3A_30 {strides = array<i32>} : memref<10000x1xf32, #tpu.memory_space<vmem>>, vector<10000x1xf32>,
    return
  }
}

module attributes {stable_mosaic.version = 14 : i64} {
  func.func @_post_body(%arg0: memref<2x10000x80xf32, #tpu.memory_space<vmem>>, %arg1: memref<128xf32, #tpu.memory_space<vmem>>, %arg2: memref<10000x128xf32, #tpu.memory_space<vmem>>) attributes {dimension_semantics = [], scalar_prefetch = 0 : i64, scratch_operands = 0 : i64, tpu.core_type = #tpu.core_type<tc>} {
    %get3A = arith.constant 0 : index
    %get3A_0 = arith.constant 0 : index
    %get3A_1 = arith.constant 0 : index
    %get3A_2 = vector.load %arg0[%get3A, %get3A_0, %get3A_1] : memref<2x10000x80xf32, #tpu.memory_space<vmem>>, vector<1x10000x64xf32>
    %get3A_3 = vector.shape_cast %get3A_2 : vector<1x10000x64xf32> to vector<10000x64xf32>
    %get3A_4 = arith.constant 1 : index
    %get3A_5 = arith.constant 0 : index
    %get3A_6 = arith.constant 0 : index
    %get3A_7 = vector.load %arg0[%get3A_4, %get3A_5, %get3A_6] : memref<2x10000x80xf32, #tpu.memory_space<vmem>>, vector<1x10000x64xf32>
    %get3A_8 = vector.shape_cast %get3A_7 : vector<1x10000x64xf32> to vector<10000x64xf32>
    %concatenate3A = tpu.concatenate %get3A_3, %get3A_8 in 1 : vector<10000x64xf32>, vector<10000x64xf32> -> vector<10000x128xf32>
    %get3A_9 = arith.constant 0 : index
    %get3A_10 = arith.constant 0 : index
    %get3A_11 = arith.constant 64 : index
    %get3A_12 = vector.load %arg0[%get3A_9, %get3A_10, %get3A_11] : memref<2x10000x80xf32, #tpu.memory_space<vmem>>, vector<1x10000x1xf32>
    %get3A_13 = vector.shape_cast %get3A_12 : vector<1x10000x1xf32> to vector<10000x1xf32>
    %add3A = arith.constant 1.000000e-16 : f32
    %add3A_14 = vector.broadcast %add3A : f32 to vector<10000x1xf32>
    %add3A_15 = arith.addf %get3A_13, %add3A_14 : vector<10000x1xf32>
    %div3A = vector.broadcast %add3A_15 : vector<10000x1xf32> to vector<10000x128xf32>
    %div3A_16 = arith.divf %concatenate3A, %div3A : vector<10000x128xf32>
    %get3A_17 = arith.constant 0 : index
    %get3A_18 = vector.load %arg1[%get3A_17] : memref<128xf32, #tpu.memory_space<vmem>>, vector<128xf32>
    %broadcast_in_dim3A = vector.shape_cast %get3A_18 : vector<128xf32> to vector<1x128xf32>
    %add3A_19 = vector.broadcast %broadcast_in_dim3A : vector<1x128xf32> to vector<10000x128xf32>
    %add3A_20 = arith.addf %div3A_16, %add3A_19 : vector<10000x128xf32>
    %max3A = arith.constant 0.000000e+00 : f32
    %max3A_21 = vector.broadcast %max3A : f32 to vector<10000x128xf32>
    %max3A_22 = arith.maximumf %add3A_20, %max3A_21 : vector<10000x128xf32>
    %swap3A = arith.constant 0 : index
    %swap3A_23 = arith.constant 0 : index
    %swap3A_24 = vector.load %arg2[%swap3A, %swap3A_23] : memref<10000x128xf32, #tpu.memory_space<vmem>>, vector<10000x128xf32>
    tpu.vector_store %arg2[%swap3A, %swap3A_23], %max3A_22 {strides = array<i32>} : memref<10000x128xf32, #tpu.memory_space<vmem>>, vector<10000x128xf32>,
    return
  }
}

</mosaic_0001>

<sc_bundles>
// kernel: kernel.5.cloned.1.call-start
scs
__scs_entry_jumppad:
0x0: {  	(pc) =	sbr.rel $0x88, $3  }
0x1: {  	(tag) =	ssettag $0x0;
	lr =	simm.s32 $0x1  }
0x2: {  	[smem:$0x3F9B] =	sst lr;
	_ =	strace $0xD0000000  }
0x3: {  	_ = 	snop  }
0x4: {  	_ = 	snop  }
0x5: {  	_ = 	snop  }
0x6: {  	_ = 	snop  }
0x7: {  	_ = 	snop  }
__scs_overlays_trampoline_lowered:
0x8: {  	[smem:$0x3FAA] =	sst s0  }
0x9: {  	[smem:$0x3FAB] =	sst s1  }
0xa: {  	[smem:$0x3FAC] =	sst s2  }
0xb: {  	[smem:$0x3FAD] =	sst s3  }
0xc: {  	[smem:$0x3FAE] =	sst s4  }
0xd: {  	[smem:$0x3FAF] =	sst s5  }
0xe: {  	[smem:$0x3FB0] =	sst s6  }
0xf: {  	[smem:$0x3FB1] =	sst s7  }
0x10: {  	[smem:$0x3FB2] =	sst s8  }
0x11: {  	[smem:$0x3FB3] =	sst s9;
	s0 =	simm.s32 @!p0 $0x0  }
0x12: {  	s1 =	sld [smem:$0x3F99];
	s0 =	simm.s32 @p0 $0x1  }
0x13: {  	[smem:$0x3FB4] =	sst s0;
	s0 =	simm.s32 @!p1 $0x0  }
0x14: {  	s2 =	sld [smem:$0x3F98];
	s0 =	simm.s32 @p1 $0x1  }
0x15: {  	[smem:$0x3FB5] =	sst s0;
	s0 =	simm.s32 @!p2 $0x0  }
0x16: {  	s3 =	sld [smem:$0x3FDB];
	s0 =	simm.s32 @p2 $0x1  }
0x17: {  	s4 =	simm.s32 $0x1BF5;
	[smem:$0x3FB7] =	sst s0  }
0x18: {  	s0 =	sld [smem:$0x3F9A];
	_ =	swait.ge [sflag:s4], $0x0  }
0x19: {  	s7 =	sld [smem:$0x3F9B]  }
0x1a: {  	s8 =	sadd.s32 $0xFFFFE003, lr  }
0x1b: {  	s9 =	sadd.s32 $0xFFFFFEF7, lr;
	s5 =	simm.s32 $0xFFFFFFFF;
	p2 =	slt.u32 s8, $0xFFFFF086  }
0x1c: {  	p1 =	slt.u32 s9, $0xF7A;
	s5 =	simm.s32 @!p2 $0x0  }
0x1d: {  	s5 =	simm.s32 @p1 $0x1;
	p0 =	seq.s32 s7, s2  }
0x1e: {  	s7 =	smul.u32 @!p0 $0xF7A, s2;
	p2 =	seq.s32 @!p0 s5, $0x0  }
0x1f: {  	s9 =	smul.u32 $0xF7A, s1;
	s8 =	simm.s32 @!p0 $0x1BF5;
	p2 =	por !p2, p0  }
0x20: {  	[sflag:s8] =	ssyncset.s32 @!p0 $0xFFFFF086;
	s6 =	sadd.s32 @!p0 s3, s7;
	s7 =	simm.s32 @!p0 $0x108  }
0x21: {  	s3 =	sadd.s32 s3, s9;
	s6 =	sadd.s32 @!p0 $0x88, s6;
	s7 =	simm.s32 @p2 $0x1082  }
0x22: {  	[simem:s7], [sflag:s8] =	dma.local @!p0 [hbm:s6], $0xF7A  }
0x23: {  	s9 =	sor.u32 $0xD0000000, s2;
	s6 =	simm.s32 $0x108;
	_ =	swait.ge @!p0 [sflag:s8], $0x0  }
0x24: {  	s3 =	sadd.s32 $0x88, s3;
	s6 =	simm.s32 @!p1 $0x1082;
	[sflag:s4] =	ssyncset.s32 $0xFFFFF086  }
0x25: {  	[simem:s6], [sflag:s4] =	dma.local [hbm:s3], $0xF7A  }
0x26: {  	[smem:$0x3F9B] =	sst s1;
	(tag) =	ssettag s2;
	_ =	strace s9  }
0x27: {  	s1 =	sld [smem:$0x3FAB]  }
0x28: {  	s2 =	sld [smem:$0x3FAC]  }
0x29: {  	s4 =	sld [smem:$0x3FAE]  }
0x2a: {  	p0 =	seq.s32 s5, $0x0;
	s5 =	sld [smem:$0x3FAF]  }
0x2b: {  	s6 =	sld [smem:$0x3FB0]  }
0x2c: {  	s7 =	sld [smem:$0x3FB1]  }
0x2d: {  	s3 =	simm.s32 $0x108;
	s8 =	sld [smem:$0x3FB2]  }
0x2e: {  	s3 =	simm.s32 @!p0 $0x1082;
	s9 =	sld [smem:$0x3FB3]  }
0x2f: {  	lr =	sadd.s32 s0, s3;
	s0 =	sld [smem:$0x3FAA]  }
0x30: {  	s3 =	sld [smem:$0x3FAD]  }
0x31: {  	[smem:$0x3FB6] =	sst s10  }
0x32: {  	s10 =	sld [smem:$0x3FB4];
	_ =	sdelay $0x3  }
0x33: {  	p0 =	seq.s32 s10, $0x1;
	s10 =	sld [smem:$0x3FB6];
	_ =	sdelay $0x3  }
0x34: {  	[smem:$0x3FB6] =	sst s10  }
0x35: {  	s10 =	sld [smem:$0x3FB5];
	_ =	sdelay $0x3  }
0x36: {  	p1 =	seq.s32 s10, $0x1;
	s10 =	sld [smem:$0x3FB6];
	_ =	sdelay $0x3  }
0x37: {  	[smem:$0x3FB6] =	sst s10  }
0x38: {  	s10 =	sld [smem:$0x3FB7]  }
0x39: {  	_ = 	snop;
	(pc) =	sbr.ind lr, $3  }
0x3a: {  	_ = 	snop  }
0x3b: {  	_ = 	snop  }
0x3c: {  	p2 =	seq.s32 s10, $0x1;
	s10 =	sld [smem:$0x3FB6]  }
0x3d: {  	_ =	shalt  }
0x3e: {  	_ =	shalt  }
0x3f: {  	_ =	shalt  }
0x40: {  	_ =	shalt  }
0x41: {  	_ =	shalt  }
0x42: {  	_ =	shalt  }
0x43: {  	_ =	shalt  }
0x44: {  	_ =	shalt  }
0x45: {  	_ =	shalt  }
0x46: {  	_ =	shalt  }
0x47: {  	_ =	shalt  }
0x48: {  	_ =	shalt  }
0x49: {  	_ =	shalt  }
0x4a: {  	_ =	shalt  }
0x4b: {  	_ =	shalt  }
0x4c: {  	_ =	shalt  }
0x4d: {  	_ =	shalt  }
0x4e: {  	_ =	shalt  }
0x4f: {  	_ =	shalt  }
0x50: {  	_ =	shalt  }
0x51: {  	_ =	shalt  }
0x52: {  	_ =	shalt  }
0x53: {  	_ =	shalt  }
0x54: {  	_ =	shalt  }
0x55: {  	_ =	shalt  }
0x56: {  	_ =	shalt  }
0x57: {  	_ =	shalt  }
0x58: {  	_ =	shalt  }
0x59: {  	_ =	shalt  }
0x5a: {  	_ =	shalt  }
0x5b: {  	_ =	shalt  }
0x5c: {  	_ =	shalt  }
0x5d: {  	_ =	shalt  }
0x5e: {  	_ =	shalt  }
0x5f: {  	_ =	shalt  }
0x60: {  	_ =	shalt  }
0x61: {  	_ =	shalt  }
0x62: {  	_ =	shalt  }
0x63: {  	_ =	shalt  }
0x64: {  	_ =	shalt  }
0x65: {  	_ =	shalt  }
0x66: {  	_ =	shalt  }
0x67: {  	_ =	shalt  }
0x68: {  	_ =	shalt  }
0x69: {  	_ =	shalt  }
0x6a: {  	_ =	shalt  }
0x6b: {  	_ =	shalt  }
0x6c: {  	_ =	shalt  }
0x6d: {  	_ =	shalt  }
0x6e: {  	_ =	shalt  }
0x6f: {  	_ =	shalt  }
0x70: {  	_ =	shalt  }
0x71: {  	_ =	shalt  }
0x72: {  	_ =	shalt  }
0x73: {  	_ =	shalt  }
0x74: {  	_ =	shalt  }
0x75: {  	_ =	shalt  }
0x76: {  	_ =	shalt  }
0x77: {  	_ =	shalt  }
0x78: {  	_ =	shalt  }
0x79: {  	_ =	shalt  }
0x7a: {  	_ =	shalt  }
0x7b: {  	_ =	shalt  }
0x7c: {  	_ =	shalt  }
0x7d: {  	_ =	shalt  }
0x7e: {  	_ =	shalt  }
0x7f: {  	_ =	shalt  }
0x80: {  	_ =	shalt  }
0x81: {  	_ =	shalt  }
0x82: {  	_ =	shalt  }
0x83: {  	_ =	shalt  }
0x84: {  	_ =	shalt  }
0x85: {  	_ =	shalt  }
0x86: {  	_ =	shalt  }
0x87: {  	_ =	shalt  }
.Lfunc_end0:
.L_simem_size_0:
called_computation_lowered:
.L_overlay_start_0:
0x88: {  	s2 =	sld [smem:$0x3FD9]  }
0x89: {  	s3 =	sld [smem:$0x3FFE];
	_ =	sdelay $0x1  }
0x8a: {  	s1 =	srdreg.scid  }
0x8b: {  	s0 =	sand.u32 $0x1, s1  }
0x8c: {  	s17 =	sshll.u32 s0, $0xA;
	s2 =	sadd.s32 s3, s2  }
0x8d: {  	s2 =	sadd.s32 s2, s17  }
0x8e: {  	[smem:$0x3FC2] =	sst s2  }
0x8f: {  	_ = 	snop  }
0x90: {  	s2 =	sld [smem:$0x3FD0];
	(tm) =	ssettm $0x1  }
0x91: {  	s18 =	sld [smem:$0x3FFB];
	_ =	sdelay $0x3  }
0x92: {  	_ =	strace s18  }
0x93: {  	s3 =	sld [smem:$0x3FFC];
	_ =	sdelay $0x3  }
0x94: {  	_ =	strace s3  }
0x95: {  	s3 =	sld [smem:$0x3FFD];
	_ =	sdelay $0x3  }
0x96: {  	_ =	strace s3  }
0x97: {  	_ =	strace $0x8FFFFFFF  }
0x98: {  	s19 =	sld [smem:$0x3FDB];
	_ =	sdelay $0x1  }
0x99: {  	s4 =	simm.s32 $_scs_section_size  }
0x9a: {  	s5 =	simm.s32 $_size__tile_overlayer_lowered;
	s6 =	simm.s32 $_tile_overlayer_lowered  }
0x9b: {  	s22 =	simm.s32 $0x1BFF;
	s21 =	sshll.u32 s6, $0x1;
	s3 =	sadd.s32 s4, s19  }
0x9c: {  	s7 =	simm.s32 $0x0;
	s20 =	sshll.u32 s5, $0x1;
	s5 =	sadd.s32 s21, s3  }
0x9d: {  	[timem:s7], [sflag:s22] =	dma.local [hbm:s5], s20  }
0x9e: {  	_ =	swait.ge [sflag:s22], s20  }
0x9f: {  	s4 =	ssub.s32 $0x0, s20;
	[sflag:s22] =	ssyncset.done $0x0  }
0xa0: {  	[sflag:s22] =	ssyncadd.s32 s4;
	_ =	sdelay $0x1  }
0xa1: {  	s23 =	simm.s32 $0x1B8B  }
0xa2: {  	_ =	swait.ge [sflag:s23], $0x1  }
0xa3: {  	[sflag:s23] =	ssyncset.done $0x0  }
0xa4: {  	s25 =	simm.s32 $0x1B8E;
	s24 =	sld [smem:$0x3FFE];
	[sflag:s23] =	ssyncadd.s32 $0xFFFFFFFF  }
0xa5: {  	s26 =	simm.s32 $execute0_lowered;
	[smem:$0x3FD2] =	sst s25  }
0xa6: {  	s5 =	sshll.u32 s26, $0x1;
	_ =	strace $0x80000046;
	[dreg:$0x1] =	wrdreg $0xFFFFFFFF  }
0xa7: {  	s28 =	simm.s32 $_size_execute0_lowered;
	s3 =	sadd.s32 s3, s5;
	[dreg:$0x0] =	wrdreg $0x0  }
0xa8: {  	s5 =	sshll.u32 s28, $0x1;
	[dreg:$0x2] =	wrdreg s3  }
0xa9: {  	[dreg:$0x3] =	wrdreg s5  }
0xaa: {  	[dreg:$0x4] =	wrdreg $0xC0  }
0xab: {  	_ =	task [dreg:s7], $0x5FFFF  }
0xac: {  	[dreg:$0x1] =	wrdreg $0xFFFFFFFF  }
0xad: {  	[dreg:$0x0] =	wrdreg $0x60  }
0xae: {  	[dreg:$0x2] =	wrdreg s24  }
0xaf: {  	[dreg:$0x3] =	wrdreg s2  }
0xb0: {  	[dreg:$0x4] =	wrdreg $0x103C00  }
0xb1: {  	[dreg:$0x5] =	wrdreg $0x9  }
0xb2: {  	_ =	task.clear_ibuf [dreg:s7], $0x6FFFF;
	_ =	strace $0x90000046  }
0xb3: {  	s29 =	simm.s32 $0x9;
	_ =	strace $0x80000048  }
0xb4: {  	_ =	swait.ge [sflag:s29], $0x1  }
0xb5: {  	[sflag:s29] =	ssyncadd.s32 $0xFFFFFFFF  }
0xb6: {  	_ =	strace $0x90000048  }
0xb7: {  	_ =	sfence  }
0xb8: {  	s30 =	sld [smem:$0x0];
	_ =	sdelay $0x2  }
0xb9: {  	s31 =	sshll.u32 s1, $0xD;
	s1 =	sshrl.u32 s1, $0x2  }
0xba: {  	s3 =	sand.u32 $0x4000, s31;
	s1 =	sadd.s32 s1, s30  }
0xbb: {  	s0 =	sor.u32 s3, s0;
	s1 =	sshll.u32 s1, $0x11  }
0xbc: {  	s0 =	sor.u32 s1, s0  }
0xbd: {  	s0 =	sadd.s32 $0x8F2B, s0  }
0xbe: {  	[sflag:s0] =	ssyncadd.remote.s32 $0x1  }
0xbf: {  	_ =	sfence.sel $0xFFFF  }
0xc0: {  	[dreg:$0x0] =	wrdreg $0xFFFFFFFF;
	(pc) =	sbr.abs _section_cstart, $3  }
0xc1: {  	[dreg:$0x1] =	wrdreg $0xFFFFFFFF  }
0xc2: {  	_ =	task.clear_ibuf [dreg:s7], $0x2FFFF;
	_ =	strace $0x9FFFFFFF  }
0xc3: {  	(tm) =	ssettm $0x7FFFFFFF  }
tec
execute0_lowered:
.L_overlay_start_1:
0x0: {  	(tag) =	ssettag $0x1  }
0x1: {  	s2 =	rddreg [dreg:$0x0]  }
0x2: {  	s0 =	rddreg [dreg:$0x1]  }
0x3: {  	s3 =	rddreg [dreg:$0x2]  }
0x4: {  	s11 =	stileid.u32;
	s4 =	simm.s32 $0x0;
	s5 =	srdreg.scid  }
0x5: {  	s20 =	simm.s32 $0x2;
	s21 =	simm.s32 $0x2710;
	s1 =	smul.u32 $0x4E20, s11  }
0x6: {  	s22 =	simm.s32 $0x4E20;
	s23 =	simm.s32 $0x9C40;
	s7 =	smul.u32 $0xC350, s11  }
0x7: {  	s24 =	simm.s32 $0x50;
	s17 =	sand.u32 $0x1, s5;
	s11 =	smul.u32 $0x30D40, s11  }
0x8: {  	s25 =	simm.s32 $0x1;
	[smem:$0x7FF] =	sst s4;
	s8 =	smul.u32 $0xC3500, s17  }
0x9: {  	s5 =	sadd.s32 $0x4E200, s2;
	s6 =	sadd.s32 $0x600, s2;
	s13 =	smul.u32 $0x4E200, s17  }
0xa: {  	_ =	strace $0x80000047;
	s10 =	ssub.s32 $0x2, s17;
	s31 =	smul.u32 $0x2710, s17  }
0xb: {  	s9 =	sshrl.u32 s1, $0x3;
	s29 =	sshrl.u32 s10, $0x1;
	s30 =	sshrl.u32 s11, $0x2  }
0xc: {  	s8 =	sadd.s32 s7, s8;
	s16 =	sadd.s32 s9, s2;
	s19 =	ssub.s32 s10, s29  }
0xd: {  	s7 =	sadd.s32 s7, s3;
	s14 =	sadd.s32 s30, s3;
	s1 =	sadd.s32 s1, s13  }
0xe: {  	s8 =	sshrl.u32 s8, $0x3;
	s9 =	sadd.s32 $0x3200, s14;
	s10 =	sadd.s32 $0x4B00, s14  }
0xf: {  	s11 =	sadd.s32 $0x6400, s14;
	s12 =	sadd.s32 $0x7D00, s14;
	s13 =	sadd.s32 $0x9600, s14  }
0x10: {  	s1 =	sshrl.u32 s1, $0x3;
	s16 =	sadd.s32 $0xC00, s16;
	s18 =	sadd.s32 s8, s2  }
0x11: {  	s8 =	sadd.s32 $0x1900, s14;
	s14 =	sadd.s32 $0xAF00, s14;
	s15 =	sadd.s32 s0, s1  }
0x12: {  	v1 =	vimm.f32 $0.0e+00;
	v0 =	vmov s31;
	s17 =	sadd.s32 $0xAA00, s18;
	s18 =	smax.u32 s19, $0x1;
	s19 =	simm.s32 $0xEA60  }
.LBB2_1:
0x13: {  	s26 =	simm.s32 $0x140;
	s0 =	simm.s32 $0x0  }
.LBB2_2:
0x14: {  	p0 =	sne.s32 s26, $0x62C0;
	[tilespmem:s0+$0xEAA0] =	vst v1;
	s1 =	smov.u32 s26;
	s26 =	sadd.s32 $0x140, s26  }
.Ltmp0:
0x15: {  	[tilespmem:s0+$0xEA90] =	vst v1;
	(pc) =	sbr.rel @p0 .LBB2_2-.Ltmp0, $4  }
0x16: {  	[tilespmem:s0+$0xEA80] =	vst v1  }
0x17: {  	[tilespmem:s0+$0xEA60] =	vst v1  }
0x18: {  	[tilespmem:s0+$0xEA70] =	vst v1  }
0x19: {  	s0 =	sshra.s32 s1, $0x2  }
0x1a: {  	[tilespmem:s0+$0xEAA0] =	vst v1  }
0x1b: {  	[tilespmem:s0+$0xEA90] =	vst v1  }
0x1c: {  	[tilespmem:s0+$0xEA80] =	vst v1  }
0x1d: {  	[tilespmem:s0+$0xEA60] =	vst v1  }
0x1e: {  	[tilespmem:s0+$0xEA70] =	vst v1  }
0x1f: {  	[spmem:s7] =	stream.linear.scatter [tilespmem:s19], [sflag:$0x2], $0x1900, $0x38;
	[tilespmem:$0x1C710] =	vst v63  }
0x20: {  	_ =	swait.ge [sflag:s20], $0x1900  }
0x21: {  	[sflag:s20] =	ssyncset.done $0x0  }
0x22: {  	[sflag:s20] =	ssyncadd.s32 $0xFFFFE700  }
0x23: {  	[spmem:s8] =	stream.linear.scatter [tilespmem:s19], [sflag:$0x2], $0x1900, $0x38;
	[tilespmem:$0x1C710] =	vst v63  }
0x24: {  	_ =	swait.ge [sflag:s20], $0x1900  }
0x25: {  	[sflag:s20] =	ssyncset.done $0x0  }
0x26: {  	[sflag:s20] =	ssyncadd.s32 $0xFFFFE700  }
0x27: {  	[spmem:s9] =	stream.linear.scatter [tilespmem:s19], [sflag:$0x2], $0x1900, $0x38;
	[tilespmem:$0x1C710] =	vst v63  }
0x28: {  	_ =	swait.ge [sflag:s20], $0x1900  }
0x29: {  	[sflag:s20] =	ssyncset.done $0x0  }
0x2a: {  	[sflag:s20] =	ssyncadd.s32 $0xFFFFE700  }
0x2b: {  	[spmem:s10] =	stream.linear.scatter [tilespmem:s19], [sflag:$0x2], $0x1900, $0x38;
	[tilespmem:$0x1C710] =	vst v63  }
0x2c: {  	_ =	swait.ge [sflag:s20], $0x1900  }
0x2d: {  	[sflag:s20] =	ssyncset.done $0x0  }
0x2e: {  	[sflag:s20] =	ssyncadd.s32 $0xFFFFE700  }
0x2f: {  	[spmem:s11] =	stream.linear.scatter [tilespmem:s19], [sflag:$0x2], $0x1900, $0x38;
	[tilespmem:$0x1C710] =	vst v63  }
0x30: {  	_ =	swait.ge [sflag:s20], $0x1900  }
0x31: {  	[sflag:s20] =	ssyncset.done $0x0  }
0x32: {  	[sflag:s20] =	ssyncadd.s32 $0xFFFFE700  }
0x33: {  	[spmem:s12] =	stream.linear.scatter [tilespmem:s19], [sflag:$0x2], $0x1900, $0x38;
	[tilespmem:$0x1C710] =	vst v63  }
0x34: {  	_ =	swait.ge [sflag:s20], $0x1900  }
0x35: {  	[sflag:s20] =	ssyncset.done $0x0  }
0x36: {  	[sflag:s20] =	ssyncadd.s32 $0xFFFFE700  }
0x37: {  	[spmem:s13] =	stream.linear.scatter [tilespmem:s19], [sflag:$0x2], $0x1900, $0x38;
	[tilespmem:$0x1C710] =	vst v63  }
0x38: {  	_ =	swait.ge [sflag:s20], $0x1900  }
0x39: {  	[sflag:s20] =	ssyncset.done $0x0  }
0x3a: {  	[sflag:s20] =	ssyncadd.s32 $0xFFFFE700  }
0x3b: {  	[spmem:s14] =	stream.linear.scatter [tilespmem:s19], [sflag:$0x2], $0x1450, $0x38;
	[tilespmem:$0x1C710] =	vst v63  }
0x3c: {  	_ =	swait.ge [sflag:s20], $0x1450  }
0x3d: {  	[sflag:s20] =	ssyncset.done $0x0  }
0x3e: {  	s31 =	simm.s32 $0x0;
	[sflag:s20] =	ssyncadd.s32 $0xFFFFEBB0  }
0x3f: {  	[tilespmem:s31], [sflag:$0x2] =	stream.linear.gather [hbm4b:s2+s31], $0x2710, $0x38;
	[tilespmem:$0x1C710] =	vst v63  }
0x40: {  	_ =	swait.ge [sflag:s20], $0x2710  }
0x41: {  	[sflag:s20] =	ssyncset.done $0x0  }
0x42: {  	[sflag:s20] =	ssyncadd.s32 $0xFFFFD8F0  }
0x43: {  	[tilespmem:s21], [sflag:$0x2] =	stream.linear.gather [hbm4b:s6+s31], $0x2710, $0x38;
	[tilespmem:$0x1C710] =	vst v63  }
0x44: {  	_ =	swait.ge [sflag:s20], $0x2710  }
0x45: {  	[sflag:s20] =	ssyncset.done $0x0  }
0x46: {  	[sflag:s20] =	ssyncadd.s32 $0xFFFFD8F0  }
0x47: {  	[tilespmem:s22], [sflag:$0x2] =	stream.linear.gather [hbm4b:s15+s31], $0x4E20, $0x38;
	[tilespmem:$0x1C710] =	vst v63  }
0x48: {  	_ =	swait.ge [sflag:s20], $0x4E20  }
0x49: {  	[sflag:s20] =	ssyncset.done $0x0  }
0x4a: {  	[sflag:s20] =	ssyncadd.s32 $0xFFFFB1E0  }
0x4b: {  	[tilespmem:s23], [sflag:$0x2] =	stream.linear.gather [hbm4b:s16+s31], $0x4E20, $0x38;
	[tilespmem:$0x1C710] =	vst v63  }
0x4c: {  	_ =	swait.ge [sflag:s20], $0x4E20  }
0x4d: {  	[sflag:s20] =	ssyncset.done $0x0  }
0x4e: {  	s0 =	simm.s32 $0x0;
	[sflag:s20] =	ssyncadd.s32 $0xFFFFB1E0  }
0x4f: {  	v2 =	vimm.f32 $-Inf;
	s1 =	simm.s32 $0x40;
	v3 =	vimm.f32 $-Inf;
	v4 =	vld [tilespmem:s0+$0x0]  }
.LBB2_4:
0x50: {  	p0 =	sne.s32 s1, $0x9C00  }
.Ltmp1:
0x51: {  	_ = 	snop;
	(pc) =	sbr.rel @p0 .LBB2_4-.Ltmp1, $3  }
0x52: {  	_ =	sdelay $0x1  }
0x53: {  	s26 =	sshra.s32 s1, $0x2;
	s1 =	sadd.s32 $0x40, s1;
	v3 =	vmax.f32 v3, v4  }
0x54: {  	v4 =	vld [tilespmem:s26+$0x0]  }
0x55: {  	_ =	sdelay $0x3  }
0x56: {  	s1 =	simm.s32 $0x40;
	v3 =	vmax.f32 v3, v4;
	v4 =	vld [tilespmem:s0+$0x2710]  }
.LBB2_6:
0x57: {  	p0 =	sne.s32 s1, $0x9C00  }
.Ltmp2:
0x58: {  	_ = 	snop;
	(pc) =	sbr.rel @p0 .LBB2_6-.Ltmp2, $3  }
0x59: {  	_ =	sdelay $0x1  }
0x5a: {  	s0 =	sshra.s32 s1, $0x2;
	s1 =	sadd.s32 $0x40, s1;
	v2 =	vmax.f32 v2, v4  }
0x5b: {  	v4 =	vld [tilespmem:s0+$0x2710]  }
0x5c: {  	_ =	sdelay $0x3  }
0x5d: {  	(xrf0) =	vmax.scan.msk.f32 $0xffff, v3;
	v2 =	vmax.f32 v2, v4  }
0x5e: {  	(xrf0) =	vmax.scan.msk.f32 $0xffff, v2;
	_ =	sdelay $0x4  }
0x5f: {  	v2, _, _ =	vpop (xrf0)  }
0x60: {  	(v2sf) =	vpush v2, $0xF;
	v2, _, _ =	vpop (xrf0)  }
0x61: {  	(v2sf) =	vpush v2, $0xF;
	_ =	sdelay $0xd  }
0x62: {  	s0 =	spop (v2sf)  }
0x63: {  	s1 =	spop (v2sf)  }
0x64: {  	s0 =	sadd.f32 s1, s0;
	_ =	sdelay $0x1  }
0x65: {  	p0 =	sgt.f32 s0, $0.0e+00;
	s1 =	smul.f32 $2.000000030e-01, s0  }
0x66: {  	_ = 	snop  }
0x67: {  	s1 =	smov.u32 @p0 s0  }
0x68: {  	s26 =	simm.s32 $0x0;
	s28 =	simm.s32 $0x0;
	[bflag:$0x0] =	sbarrier.arrive $0xFFFF;
	v2 =	vmov s1  }
.LBB2_8:
0x69: {  	s29 =	smul.u32 $0x50, s28;
	_ =	sdelay $0x1  }
0x6a: {  	s0 =	sadd.s32 $0x4E20, s29  }
0x6b: {  	[tilespmem:s19], [sflag:$0x1] =	stream.indirect.gather [hbm4b:s5+s24], $0x50, s0, s24, $0xb8;
	[tilespmem:$0x1C710] =	vst v63  }
0x6c: {  	v3 =	vld [tilespmem:s29+$0x4E20];
	_ =	sdelay $0x2  }
0x6d: {  	v5 =	vld [tilespmem:s29+$0x9C40];
	_ =	sdelay $0x1  }
0x6e: {  	v4 =	vsub.s32 v3, v0  }
0x6f: {  	v3 =	vand.u32 $0x7, v3;
	v4 =	vand.u32 $0xFFFFFFF8, v4  }
0x70: {  	v3 =	vor.u32 v3, v4;
	_ =	sdelay $0x3  }
0x71: {  	v4 =	vld.idx.msk [tilespmem:v5+s21+$0x0], $0xffff  }
0x72: {  	v3 =	vld.idx.msk [tilespmem:v3+s26+$0x0], $0xffff;
	_ =	sdelay $0x4  }
0x73: {  	v3 =	vadd.f32 v4, v3;
	_ =	sdelay $0x1  }
0x74: {  	v4 =	vmul.f32 $2.000000030e-01, v3  }
0x75: {  	vm0 =	vge.f32 v3, $0.0e+00  }
0x76: {  	v3 =	vsel vm0, v3, v4  }
0x77: {  	v3 =	vsub.f32 v3, v2;
	_ =	sdelay $0x1  }
0x78: {  	v3 =	vmul.f32 $1.442695020e+00, v3;
	_ =	sdelay $0x1  }
0x79: {  	(erf) = vpow2.f32 v3;
	_ =	sdelay $0x8  }
0x7a: {  	v3 =	vpop (erf)  }
0x7b: {  	[tilespmem:$0x10360] =	vst v3  }
0x7c: {  	v3 =	vld [tilespmem:s29+$0x4E30];
	_ =	sdelay $0x2  }
0x7d: {  	v5 =	vld [tilespmem:s29+$0x9C50];
	_ =	sdelay $0x1  }
0x7e: {  	v4 =	vsub.s32 v3, v0  }
0x7f: {  	v3 =	vand.u32 $0x7, v3;
	v4 =	vand.u32 $0xFFFFFFF8, v4  }
0x80: {  	v3 =	vor.u32 v3, v4;
	_ =	sdelay $0x3  }
0x81: {  	v4 =	vld.idx.msk [tilespmem:v5+s21+$0x0], $0xffff  }
0x82: {  	v3 =	vld.idx.msk [tilespmem:v3+s26+$0x0], $0xffff;
	_ =	sdelay $0x4  }
0x83: {  	v3 =	vadd.f32 v4, v3;
	_ =	sdelay $0x1  }
0x84: {  	v4 =	vmul.f32 $2.000000030e-01, v3  }
0x85: {  	vm12 =	vge.f32 v3, $0.0e+00  }
0x86: {  	v3 =	vsel vm12, v3, v4  }
0x87: {  	v3 =	vsub.f32 v3, v2;
	_ =	sdelay $0x1  }
0x88: {  	v3 =	vmul.f32 $1.442695020e+00, v3;
	_ =	sdelay $0x1  }
0x89: {  	(erf) = vpow2.f32 v3;
	_ =	sdelay $0x8  }
0x8a: {  	v3 =	vpop (erf)  }
0x8b: {  	[tilespmem:$0x10370] =	vst v3  }
0x8c: {  	v3 =	vld [tilespmem:s29+$0x4E40];
	_ =	sdelay $0x2  }
0x8d: {  	v5 =	vld [tilespmem:s29+$0x9C60];
	_ =	sdelay $0x1  }
0x8e: {  	v4 =	vsub.s32 v3, v0  }
0x8f: {  	v3 =	vand.u32 $0x7, v3;
	v4 =	vand.u32 $0xFFFFFFF8, v4  }
0x90: {  	v3 =	vor.u32 v3, v4;
	_ =	sdelay $0x3  }
0x91: {  	v4 =	vld.idx.msk [tilespmem:v5+s21+$0x0], $0xffff  }
0x92: {  	v3 =	vld.idx.msk [tilespmem:v3+s26+$0x0], $0xffff;
	_ =	sdelay $0x4  }
0x93: {  	v3 =	vadd.f32 v4, v3;
	_ =	sdelay $0x1  }
0x94: {  	v4 =	vmul.f32 $2.000000030e-01, v3  }
0x95: {  	vm13 =	vge.f32 v3, $0.0e+00  }
0x96: {  	v3 =	vsel vm13, v3, v4  }
0x97: {  	v3 =	vsub.f32 v3, v2;
	_ =	sdelay $0x1  }
0x98: {  	v3 =	vmul.f32 $1.442695020e+00, v3;
	_ =	sdelay $0x1  }
0x99: {  	(erf) = vpow2.f32 v3;
	_ =	sdelay $0x8  }
0x9a: {  	v3 =	vpop (erf)  }
0x9b: {  	[tilespmem:$0x10380] =	vst v3  }
0x9c: {  	v3 =	vld [tilespmem:s29+$0x4E50];
	_ =	sdelay $0x2  }
0x9d: {  	v5 =	vld [tilespmem:s29+$0x9C70];
	_ =	sdelay $0x1  }
0x9e: {  	v4 =	vsub.s32 v3, v0  }
0x9f: {  	v3 =	vand.u32 $0x7, v3;
	v4 =	vand.u32 $0xFFFFFFF8, v4  }
0xa0: {  	v3 =	vor.u32 v3, v4;
	_ =	sdelay $0x3  }
0xa1: {  	v4 =	vld.idx.msk [tilespmem:v5+s21+$0x0], $0xffff  }
0xa2: {  	v3 =	vld.idx.msk [tilespmem:v3+s26+$0x0], $0xffff;
	_ =	sdelay $0x4  }
0xa3: {  	v3 =	vadd.f32 v4, v3;
	_ =	sdelay $0x1  }
0xa4: {  	v4 =	vmul.f32 $2.000000030e-01, v3  }
0xa5: {  	vm14 =	vge.f32 v3, $0.0e+00  }
0xa6: {  	v3 =	vsel vm14, v3, v4  }
0xa7: {  	v3 =	vsub.f32 v3, v2;
	_ =	sdelay $0x1  }
0xa8: {  	v3 =	vmul.f32 $1.442695020e+00, v3;
	_ =	sdelay $0x1  }
0xa9: {  	(erf) = vpow2.f32 v3;
	_ =	sdelay $0x8  }
0xaa: {  	v3 =	vpop (erf)  }
0xab: {  	[tilespmem:$0x10390] =	vst v3  }
0xac: {  	v3 =	vld [tilespmem:s29+$0x4E60];
	_ =	sdelay $0x2  }
0xad: {  	v5 =	vld [tilespmem:s29+$0x9C80];
	_ =	sdelay $0x1  }
0xae: {  	v4 =	vsub.s32 v3, v0  }
0xaf: {  	v3 =	vand.u32 $0x7, v3;
	v4 =	vand.u32 $0xFFFFFFF8, v4  }
0xb0: {  	v3 =	vor.u32 v3, v4;
	_ =	sdelay $0x3  }
0xb1: {  	v4 =	vld.idx.msk [tilespmem:v5+s21+$0x0], $0xffff  }
0xb2: {  	v3 =	vld.idx.msk [tilespmem:v3+s26+$0x0], $0xffff;
	_ =	sdelay $0x4  }
0xb3: {  	v3 =	vadd.f32 v4, v3;
	_ =	sdelay $0x1  }
0xb4: {  	v4 =	vmul.f32 $2.000000030e-01, v3  }
0xb5: {  	vm15 =	vge.f32 v3, $0.0e+00  }
0xb6: {  	v3 =	vsel vm15, v3, v4  }
0xb7: {  	v3 =	vsub.f32 v3, v2;
	_ =	sdelay $0x1  }
0xb8: {  	v3 =	vmul.f32 $1.442695020e+00, v3;
	_ =	sdelay $0x1  }
0xb9: {  	(erf) = vpow2.f32 v3;
	_ =	sdelay $0x8  }
0xba: {  	v3 =	vpop (erf)  }
0xbb: {  	[tilespmem:$0x103A0] =	vst v3  }
0xbc: {  	_ =	swait.ge [sflag:s25], $0x1900  }
0xbd: {  	[sflag:s25] =	ssyncset.done $0x0  }
0xbe: {  	s30 =	simm.s32 $0xEA80;
	[sflag:s25] =	ssyncadd.s32 $0xFFFFE700  }
0xbf: {  	s1 =	simm.s32 $0x0;
	v3 =	vld [tilespmem:s30+$0xFFFFFFF0]  }
0xc0: {  	s31 =	simm.s32 $0xEA80;
	s0 =	simm.s32 $0x4;
	s29 =	sadd.s32 $0x9C40, s29;
	v4 =	vld [tilespmem:s30+$0x10]  }
.LBB2_9:
0xc1: {  	p0 =	sne.s32 s0, $0x13C;
	v5 =	vld.msk [tilespmem:s1+$0x10360 ss:$0x0], $0xffff  }
0xc2: {  	v6 =	vld [tilespmem:s30+$0xFFFFFFE0]  }
0xc3: {  	v7 =	vld [tilespmem:s30+$0x0]  }
0xc4: {  	v8 =	vld [tilespmem:s30+$0x20];
	_ =	sdelay $0x2  }
0xc5: {  	v3 =	vmul.f32 v3, v5;
	v6 =	vmul.f32 v5, v6  }
0xc6: {  	v4 =	vmul.f32 v4, v5;
	v7 =	vmul.f32 v7, v5  }
.Ltmp3:
0xc7: {  	[tilespmem:s30+$0xFFFFFFE0] =	vst v6;
	v5 =	vmul.f32 v8, v5;
	(pc) =	sbr.rel @p0 .LBB2_9-.Ltmp3, $4  }
0xc8: {  	[tilespmem:s30+$0xFFFFFFF0] =	vst v3  }
0xc9: {  	s30 =	sadd.s32 $0x50, s30;
	[tilespmem:s31+$0x0] =	vst v7  }
0xca: {  	v3 =	vld [tilespmem:s30+$0xFFFFFFF0];
	[tilespmem:s31+$0x10] =	vst v4  }
0xcb: {  	s1 =	sshra.s32 s0, $0x2;
	s0 =	sadd.s32 $0x4, s0;
	v4 =	vld [tilespmem:s30+$0x10];
	[tilespmem:s31+$0x20] =	vst v5;
	s31 =	smov.u32 s30  }
0xcc: {  	v5 =	vld.msk [tilespmem:s1+$0x10360 ss:$0x0], $0xffff  }
0xcd: {  	v6 =	vld [tilespmem:s30+$0xFFFFFFE0];
	_ =	sdelay $0x1  }
0xce: {  	v7 =	vld [tilespmem:s30+$0x0];
	_ =	sdelay $0x1  }
0xcf: {  	v8 =	vld [tilespmem:s30+$0x20]  }
0xd0: {  	v6 =	vmul.f32 v5, v6  }
0xd1: {  	v3 =	vmul.f32 v3, v5  }
0xd2: {  	v7 =	vmul.f32 v7, v5;
	[tilespmem:s30+$0xFFFFFFE0] =	vst v6  }
0xd3: {  	v4 =	vmul.f32 v4, v5;
	[tilespmem:s30+$0xFFFFFFF0] =	vst v3  }
0xd4: {  	s28 =	sadd.s32 $0x1, s28;
	v3 =	vmul.f32 v8, v5;
	[tilespmem:s31+$0x0] =	vst v7  }
0xd5: {  	p0 =	sne.s32 s28, $0xFA;
	[tilespmem:s31+$0x10] =	vst v4  }
.Ltmp4:
0xd6: {  	[tilespmem:s31+$0x20] =	vst v3;
	(pc) =	sbr.rel @p0 .LBB2_8-.Ltmp4, $4  }
0xd7: {  	[spmem:s3] =	stream.indirect.scatter.add.f32 [tilespmem:s19], [sflag:$0x2], $0x50, s29, s24, $0xb8;
	[tilespmem:$0x1C710] =	vst v63  }
0xd8: {  	_ =	swait.ge [sflag:s20], $0x1900  }
0xd9: {  	[sflag:s20] =	ssyncset.done $0x0  }
0xda: {  	[sflag:s20] =	ssyncadd.s32 $0xFFFFE700  }
0xdb: {  	s0 =	stileid.u32;
	s4 =	sadd.s32 $0x1, s4  }
0xdc: {  	[bflag:$0x0] =	sbarrier.arrive $0xFFFF;
	s0 =	sshll.u32 s0, $0x6;
	p0 =	sne.s32 s4, s18  }
.Ltmp5:
0xdd: {  	s1 =	sshrl.u32 s7, $0x3;
	s0 =	sor.u32 $0x1C02, s0;
	(pc) =	sbr.rel @p0 .LBB2_1-.Ltmp5, $4  }
0xde: {  	[hbm:s17], [sflag:s0] =	dma.local [spmem:s1], $0x186A  }
0xdf: {  	_ =	swait.ge [sflag:s20], $0x186A  }
0xe0: {  	[sflag:s20] =	ssyncset.done $0x0  }
0xe1: {  	[sflag:s20] =	ssyncadd.s32 $0xFFFFE796  }
0xe2: {  	_ =	sfence.sel $0x180000  }
0xe3: {  	[bflag:$0x0] =	sbarrier.arrive $0xFFFF  }
0xe4: {  	_ =	strace $0x90000047  }
0xe5: {  	s0 =	stileid.u32;
	[bflag:$0x2] =	sbarrier.arrive $0xFFFF  }
0xe6: {  	p0 =	sne.s32 s0, $0x0;
	s0 =	rddreg [dreg:$0x3]  }
0xe7: {  	s0 =	sadd.s32 @!p0 $0x100000, s0  }
0xe8: {  	[sflag:s0] =	ssyncadd.tile.s32 @!p0 $0x1;
	_ =	shalt  }
.Lfunc_end2:
_tile_overlayer_lowered:
.L_overlay_start_2:
0xe9: {  	(tag) =	ssettag $0x2  }
0xea: {  	s0 =	rddreg [dreg:$0x0];
	s2 =	stileid.u32  }
0xeb: {  	s1 =	rddreg [dreg:$0x1];
	p0 =	sne.s32 s2, $0x0  }
0xec: {  	s3 =	rddreg [dreg:$0x2];
	[bflag:$0x3] =	sbarrier.arrive $0xFFFF;
	s2 =	simm.s32 @!p0 $0x1C02  }
0xed: {  	[timem:s3], [sflag:s2] =	dma.local @!p0 [hbm:s0], s1  }
0xee: {  	s0 =	simm.s32 @!p0 $0x2  }
0xef: {  	_ =	swait.ge @!p0 [sflag:s0], s1  }
0xf0: {  	s1 =	ssub.s32 @!p0 $0x0, s1;
	[sflag:s0] =	ssyncset.done @!p0 $0x0  }
0xf1: {  	[sflag:s0] =	ssyncadd.s32 @!p0 s1  }
0xf2: {  	[bflag:$0x3] =	sbarrier.arrive $0xFFFF  }
0xf3: {  	_ =	shalt  }

</sc_bundles>
